<compile_context>
chip_gen: v7x
topology: tpu7x:2x2x1
jax: 0.10.2.dev20260603
libtpu: 0.0.44.dev20260713+nightly
codegen_flags: <defaults>
</compile_context>

<pallas_src>
import functools

import jax
import jax.numpy as jnp
from jax import lax
from jax.experimental import pallas as pl
from jax.experimental.pallas import tpu as pltpu
from jax.experimental.pallas import tpu_sc as plsc

EMBED_DIM = 32
NUM_CORES = 2
NUM_SUBCORES = 16
NUM_WORKERS = NUM_CORES * NUM_SUBCORES
RPS = 32


def _sc_gather(table, indices):
    batch, n_fields = indices.shape
    rows_per_worker = batch // NUM_WORKERS
    n_super = rows_per_worker // RPS
    assert n_super % 2 == 0
    mesh = plsc.VectorSubcoreMesh(core_axis_name="c", subcore_axis_name="s")

    @functools.partial(
        pl.kernel,
        out_type=jax.ShapeDtypeStruct((batch, n_fields, EMBED_DIM), table.dtype),
        mesh=mesh,
        scratch_types=[
            pltpu.VMEM((RPS, n_fields), jnp.int32),
            pltpu.VMEM((RPS, n_fields), jnp.int32),
            pltpu.VMEM((RPS, n_fields, EMBED_DIM), jnp.float32),
            pltpu.VMEM((RPS, n_fields, EMBED_DIM), jnp.float32),
            pltpu.SemaphoreType.DMA,
            pltpu.SemaphoreType.DMA,
            pltpu.SemaphoreType.DMA,
            pltpu.SemaphoreType.DMA,
            pltpu.SemaphoreType.DMA,
            pltpu.SemaphoreType.DMA,
        ],
        compiler_params=pltpu.CompilerParams(use_tc_tiling_on_sc=False),
    )
    def gather_kernel(table_hbm, idx_hbm, out_hbm, i0, i1, r0, r1,
                      isem0, isem1, gsem0, gsem1, osem0, osem1):
        wid = lax.axis_index("s") * NUM_CORES + lax.axis_index("c")
        base = wid * rows_per_worker
        idx_bufs = (i0, i1)
        row_bufs = (r0, r1)
        isems = (isem0, isem1)
        gsems = (gsem0, gsem1)
        osems = (osem0, osem1)

        pltpu.async_copy(idx_hbm.at[pl.ds(base, RPS)], i0, isem0)
        pltpu.async_copy(idx_hbm.at[pl.ds(base + RPS, RPS)], i1, isem1)

        @pl.loop(0, n_super // 2)
        def _(u):
            for b in range(2):
                ib, rb = idx_bufs[b], row_bufs[b]
                s = 2 * u + b
                off = base + s * RPS

                @pl.when(u >= 1)
                def _():
                    pltpu.make_async_copy(
                        out_hbm.at[pl.ds(base, RPS)], rb, osems[b]).wait()

                pltpu.make_async_copy(
                    idx_hbm.at[pl.ds(base, RPS)], ib, isems[b]).wait()

                for j in range(RPS):
                    pltpu.async_copy(
                        table_hbm.at[ib.at[j]], rb.at[j], gsems[b])

                pltpu.make_async_copy(
                    out_hbm.at[pl.ds(base, RPS)], rb, gsems[b]).wait()
                pltpu.async_copy(rb, out_hbm.at[pl.ds(off, RPS)], osems[b])

                @pl.when(u < n_super // 2 - 1)
                def _():
                    pltpu.async_copy(
                        idx_hbm.at[pl.ds(base + (s + 2) * RPS, RPS)],
                        ib, isems[b])

        pltpu.make_async_copy(
            out_hbm.at[pl.ds(base, RPS)], r0, osem0).wait()
        pltpu.make_async_copy(
            out_hbm.at[pl.ds(base, RPS)], r1, osem1).wait()

    return gather_kernel(table, indices)


@jax.jit
def kernel(inputs, indices):
    return _sc_gather(inputs, indices)

# --- scband reference (transcript-rebuilt; emitter-appended) ---
"""Pipeline reference for scband-tfgather-66554813218902 (READ-ONLY COPY).

The authoritative reference and input builder live on the scoring server;
editing this copy changes nothing except your own understanding.
"""

import jax, jax.numpy as jnp
import numpy as np

VOCAB = 1000000
EMBED_DIM = 32
BATCH = 16384
N_FIELDS = 26


def setup_inputs(seed: int = 0) -> dict:
    key = jax.random.key(seed)
    k1, k2 = jax.random.split(key)
    inputs = jax.random.normal(k1, (VOCAB, EMBED_DIM), dtype=jnp.float32)
    indices = jax.random.randint(k2, (BATCH, N_FIELDS), 0, VOCAB, dtype=jnp.int32)
    return {"inputs": inputs, "indices": indices}


def reference(inputs, indices):
    # TFGather with axis=0 and constructor-held indices:
    #   tf.gather(inputs, self.indices, axis=0)
    # Faithful jax translation: jnp.take along axis 0.
    return jnp.take(inputs, indices, axis=0)

if __name__ == "__main__":
    import jax
    _d = setup_inputs()
    print(jax.jit(kernel)(*tuple(_d.values())))

</pallas_src>

<mosaic_0001>
#map = affine_map<(d0, d1) -> (0, 0)>
#map1 = affine_map<(d0, d1) -> (0, 0, 0)>
module attributes {stable_mosaic.version = 14 : i64} {
  func.func @gather_kernel(%arg0: i32, %arg1: i32, %arg2: memref<1000000x32xf32, #tpu.memory_space<hbm>>, %arg3: memref<16384x26xi32, #tpu.memory_space<hbm>>, %arg4: memref<16384x26x32xf32, #tpu.memory_space<hbm>>, %arg5: memref<32x26xi32, #tpu.memory_space<vmem>>, %arg6: memref<32x26xi32, #tpu.memory_space<vmem>>, %arg7: memref<32x26x32xf32, #tpu.memory_space<vmem>>, %arg8: memref<32x26x32xf32, #tpu.memory_space<vmem>>, %arg9: memref<!tpu.dma_semaphore, #tpu.memory_space<semaphore_mem>>, %arg10: memref<!tpu.dma_semaphore, #tpu.memory_space<semaphore_mem>>, %arg11: memref<!tpu.dma_semaphore, #tpu.memory_space<semaphore_mem>>, %arg12: memref<!tpu.dma_semaphore, #tpu.memory_space<semaphore_mem>>, %arg13: memref<!tpu.dma_semaphore, #tpu.memory_space<semaphore_mem>>, %arg14: memref<!tpu.dma_semaphore, #tpu.memory_space<semaphore_mem>>) attributes {dimension_semantics = [#tpu.dimension_semantics<core_parallel>, #tpu.dimension_semantics<subcore_parallel>], iteration_bounds = array<i64: 2, 16>, scalar_prefetch = 0 : i64, scratch_operands = 10 : i64, tpu.core_type = #tpu.core_type<sc_vector_subcore>, window_params = [{transform_indices = #map}, {transform_indices = #map}, {transform_indices = #map1}]} {
    %mul3A = arith.constant 2 : i32
    %mul3A_0 = arith.muli %arg1, %mul3A : i32
    %add3A = arith.addi %mul3A_0, %arg0 : i32
    %mul3A_1 = arith.constant 512 : i32
    %mul3A_2 = arith.muli %add3A, %mul3A_1 : i32
    %dma_start3A = arith.constant 0 : i32
    %dma_start3A_3 = tpu.memref_slice %arg3[%mul3A_2, %dma_start3A] : memref<16384x26xi32, #tpu.memory_space<hbm>> -> memref<32x26xi32, #tpu.memory_space<hbm>>
    %dma_start3A_4 = arith.constant 0 : i32
    %dma_start3A_5 = tpu.memref_slice %arg3[%mul3A_2, %dma_start3A_4] : memref<16384x26xi32, #tpu.memory_space<hbm>> -> memref<32x26xi32, #tpu.memory_space<hbm>>
    tpu.enqueue_dma source(%dma_start3A_5 : memref<32x26xi32, #tpu.memory_space<hbm>>) target(%arg5 : memref<32x26xi32, #tpu.memory_space<vmem>>) target_semaphore(%arg9 : memref<!tpu.dma_semaphore, #tpu.memory_space<semaphore_mem>>)
    %add3A_6 = arith.constant 32 : i32
    %add3A_7 = arith.addi %mul3A_2, %add3A_6 : i32
    %dma_start3A_8 = arith.constant 0 : i32
    %dma_start3A_9 = tpu.memref_slice %arg3[%add3A_7, %dma_start3A_8] : memref<16384x26xi32, #tpu.memory_space<hbm>> -> memref<32x26xi32, #tpu.memory_space<hbm>>
    %dma_start3A_10 = arith.constant 0 : i32
    %dma_start3A_11 = tpu.memref_slice %arg3[%add3A_7, %dma_start3A_10] : memref<16384x26xi32, #tpu.memory_space<hbm>> -> memref<32x26xi32, #tpu.memory_space<hbm>>
    tpu.enqueue_dma source(%dma_start3A_11 : memref<32x26xi32, #tpu.memory_space<hbm>>) target(%arg6 : memref<32x26xi32, #tpu.memory_space<vmem>>) target_semaphore(%arg10 : memref<!tpu.dma_semaphore, #tpu.memory_space<semaphore_mem>>)
    %scan3A = arith.constant 0 : i32
    %scan3A_12 = arith.constant 8 : i32
    %scan3A_13 = arith.addi %scan3A, %scan3A_12 : i32
    %scan3A_14 = arith.constant 1 : i32
    scf.for %scan3A_27 = %scan3A to %scan3A_13 step %scan3A_14  : i32 {
      %mul3A_28 = arith.constant 1 : i32
      %mul3A_29 = arith.muli %scan3A_27, %mul3A_28 : i32
      %add3A_30 = arith.constant 0 : i32
      %add3A_31 = arith.addi %add3A_30, %mul3A_29 : i32
      %mul3A_32 = arith.constant 2 : i32
      %mul3A_33 = arith.muli %mul3A_32, %add3A_31 : i32
      %add3A_34 = arith.constant 0 : i32
      %add3A_35 = arith.addi %mul3A_33, %add3A_34 : i32
      %mul3A_36 = arith.constant 32 : i32
      %mul3A_37 = arith.muli %add3A_35, %mul3A_36 : i32
      %add3A_38 = arith.addi %mul3A_2, %mul3A_37 : i32
      %ge3A = arith.constant 1 : i32
      %ge3A_39 = arith.cmpi sge, %add3A_31, %ge3A : i32
      %convert_element_type3A = arith.extui %ge3A_39 : i1 to i32
      %cond3A = arith.constant 0 : i32
      %cond3A_40 = arith.cmpi ne, %convert_element_type3A, %cond3A : i32
      scf.if %cond3A_40 {
        %dma_wait3A_862 = arith.constant 0 : i32
        %dma_wait3A_863 = arith.constant 0 : i32
        %dma_wait3A_864 = tpu.memref_slice %arg4[%mul3A_2, %dma_wait3A_862, %dma_wait3A_863] : memref<16384x26x32xf32, #tpu.memory_space<hbm>> -> memref<32x26x32xf32, #tpu.memory_space<hbm>>
        %dma_wait3A_865 = arith.constant 0 : i32
        %dma_wait3A_866 = arith.constant 0 : i32
        %dma_wait3A_867 = tpu.memref_slice %arg4[%mul3A_2, %dma_wait3A_865, %dma_wait3A_866] : memref<16384x26x32xf32, #tpu.memory_space<hbm>> -> memref<32x26x32xf32, #tpu.memory_space<hbm>>
        tpu.wait_dma2 semaphore(%arg13 : memref<!tpu.dma_semaphore, #tpu.memory_space<semaphore_mem>>) src(%dma_wait3A_867 : memref<32x26x32xf32, #tpu.memory_space<hbm>>) dst(%arg7 : memref<32x26x32xf32, #tpu.memory_space<vmem>>)
      } else {
      }
      %dma_wait3A_41 = arith.constant 0 : i32
      %dma_wait3A_42 = tpu.memref_slice %arg3[%mul3A_2, %dma_wait3A_41] : memref<16384x26xi32, #tpu.memory_space<hbm>> -> memref<32x26xi32, #tpu.memory_space<hbm>>
      %dma_wait3A_43 = arith.constant 0 : i32
      %dma_wait3A_44 = tpu.memref_slice %arg3[%mul3A_2, %dma_wait3A_43] : memref<16384x26xi32, #tpu.memory_space<hbm>> -> memref<32x26xi32, #tpu.memory_space<hbm>>
      tpu.wait_dma2 semaphore(%arg9 : memref<!tpu.dma_semaphore, #tpu.memory_space<semaphore_mem>>) src(%dma_wait3A_44 : memref<32x26xi32, #tpu.memory_space<hbm>>) dst(%arg5 : memref<32x26xi32, #tpu.memory_space<vmem>>)
      %dma_start3A_45 = arith.constant 0 : i32
      %dma_start3A_46 = arith.constant 0 : i32
      %dma_start3A_47 = arith.constant 0 : i32
      %dma_start3A_48 = arith.constant 0 : i32
      %dma_start3A_49 = tpu.memref_slice %arg7[%dma_start3A_46, %dma_start3A_47, %dma_start3A_48] : memref<32x26x32xf32, #tpu.memory_space<vmem>> -> memref<1x26x32xf32, #tpu.memory_space<vmem>>
      %dma_start3A_50 = tpu.memref_squeeze %dma_start3A_49 : memref<1x26x32xf32, #tpu.memory_space<vmem>> -> memref<26x32xf32, #tpu.memory_space<vmem>>
      %dma_start3A_51 = arith.constant 0 : i32
      %dma_start3A_52 = tpu.memref_slice %arg5[%dma_start3A_45, %dma_start3A_51] : memref<32x26xi32, #tpu.memory_space<vmem>> -> memref<1x26xi32, #tpu.memory_space<vmem>>
      %dma_start3A_53 = tpu.memref_squeeze %dma_start3A_52 : memref<1x26xi32, #tpu.memory_space<vmem>> -> memref<26xi32, #tpu.memory_space<vmem>>
      %dma_start3A_54 = arith.constant 0 : i32
      %dma_start3A_55 = arith.constant 0 : i32
      %dma_start3A_56 = tpu.memref_slice %arg2[%dma_start3A_54, %dma_start3A_55] : memref<1000000x32xf32, #tpu.memory_space<hbm>> -> memref<1000000x32xf32, #tpu.memory_space<hbm>>
      tpu.enqueue_indirect_dma source(%dma_start3A_56 : memref<1000000x32xf32, #tpu.memory_space<hbm>>) target(%dma_start3A_50 : memref<26x32xf32, #tpu.memory_space<vmem>>) offsets(%dma_start3A_53 : memref<26xi32, #tpu.memory_space<vmem>>) semaphore(%arg11 : memref<!tpu.dma_semaphore, #tpu.memory_space<semaphore_mem>>)
      %dma_start3A_57 = arith.constant 1 : i32
      %dma_start3A_58 = arith.constant 1 : i32
      %dma_start3A_59 = arith.constant 0 : i32
      %dma_start3A_60 = arith.constant 0 : i32
      %dma_start3A_61 = tpu.memref_slice %arg7[%dma_start3A_58, %dma_start3A_59, %dma_start3A_60] : memref<32x26x32xf32, #tpu.memory_space<vmem>> -> memref<1x26x32xf32, #tpu.memory_space<vmem>>
      %dma_start3A_62 = tpu.memref_squeeze %dma_start3A_61 : memref<1x26x32xf32, #tpu.memory_space<vmem>> -> memref<26x32xf32, #tpu.memory_space<vmem>>
      %dma_start3A_63 = arith.constant 0 : i32
      %dma_start3A_64 = tpu.memref_slice %arg5[%dma_start3A_57, %dma_start3A_63] : memref<32x26xi32, #tpu.memory_space<vmem>> -> memref<1x26xi32, #tpu.memory_space<vmem>>
      %dma_start3A_65 = tpu.memref_squeeze %dma_start3A_64 : memref<1x26xi32, #tpu.memory_space<vmem>> -> memref<26xi32, #tpu.memory_space<vmem>>
      %dma_start3A_66 = arith.constant 0 : i32
      %dma_start3A_67 = arith.constant 0 : i32
      %dma_start3A_68 = tpu.memref_slice %arg2[%dma_start3A_66, %dma_start3A_67] : memref<1000000x32xf32, #tpu.memory_space<hbm>> -> memref<1000000x32xf32, #tpu.memory_space<hbm>>
      tpu.enqueue_indirect_dma source(%dma_start3A_68 : memref<1000000x32xf32, #tpu.memory_space<hbm>>) target(%dma_start3A_62 : memref<26x32xf32, #tpu.memory_space<vmem>>) offsets(%dma_start3A_65 : memref<26xi32, #tpu.memory_space<vmem>>) semaphore(%arg11 : memref<!tpu.dma_semaphore, #tpu.memory_space<semaphore_mem>>)
      %dma_start3A_69 = arith.constant 2 : i32
      %dma_start3A_70 = arith.constant 2 : i32
      %dma_start3A_71 = arith.constant 0 : i32
      %dma_start3A_72 = arith.constant 0 : i32
      %dma_start3A_73 = tpu.memref_slice %arg7[%dma_start3A_70, %dma_start3A_71, %dma_start3A_72] : memref<32x26x32xf32, #tpu.memory_space<vmem>> -> memref<1x26x32xf32, #tpu.memory_space<vmem>>
      %dma_start3A_74 = tpu.memref_squeeze %dma_start3A_73 : memref<1x26x32xf32, #tpu.memory_space<vmem>> -> memref<26x32xf32, #tpu.memory_space<vmem>>
      %dma_start3A_75 = arith.constant 0 : i32
      %dma_start3A_76 = tpu.memref_slice %arg5[%dma_start3A_69, %dma_start3A_75] : memref<32x26xi32, #tpu.memory_space<vmem>> -> memref<1x26xi32, #tpu.memory_space<vmem>>
      %dma_start3A_77 = tpu.memref_squeeze %dma_start3A_76 : memref<1x26xi32, #tpu.memory_space<vmem>> -> memref<26xi32, #tpu.memory_space<vmem>>
      %dma_start3A_78 = arith.constant 0 : i32
      %dma_start3A_79 = arith.constant 0 : i32
      %dma_start3A_80 = tpu.memref_slice %arg2[%dma_start3A_78, %dma_start3A_79] : memref<1000000x32xf32, #tpu.memory_space<hbm>> -> memref<1000000x32xf32, #tpu.memory_space<hbm>>
      tpu.enqueue_indirect_dma source(%dma_start3A_80 : memref<1000000x32xf32, #tpu.memory_space<hbm>>) target(%dma_start3A_74 : memref<26x32xf32, #tpu.memory_space<vmem>>) offsets(%dma_start3A_77 : memref<26xi32, #tpu.memory_space<vmem>>) semaphore(%arg11 : memref<!tpu.dma_semaphore, #tpu.memory_space<semaphore_mem>>)
      %dma_start3A_81 = arith.constant 3 : i32
      %dma_start3A_82 = arith.constant 3 : i32
      %dma_start3A_83 = arith.constant 0 : i32
      %dma_start3A_84 = arith.constant 0 : i32
      %dma_start3A_85 = tpu.memref_slice %arg7[%dma_start3A_82, %dma_start3A_83, %dma_start3A_84] : memref<32x26x32xf32, #tpu.memory_space<vmem>> -> memref<1x26x32xf32, #tpu.memory_space<vmem>>
      %dma_start3A_86 = tpu.memref_squeeze %dma_start3A_85 : memref<1x26x32xf32, #tpu.memory_space<vmem>> -> memref<26x32xf32, #tpu.memory_space<vmem>>
      %dma_start3A_87 = arith.constant 0 : i32
      %dma_start3A_88 = tpu.memref_slice %arg5[%dma_start3A_81, %dma_start3A_87] : memref<32x26xi32, #tpu.memory_space<vmem>> -> memref<1x26xi32, #tpu.memory_space<vmem>>
      %dma_start3A_89 = tpu.memref_squeeze %dma_start3A_88 : memref<1x26xi32, #tpu.memory_space<vmem>> -> memref<26xi32, #tpu.memory_space<vmem>>
      %dma_start3A_90 = arith.constant 0 : i32
      %dma_start3A_91 = arith.constant 0 : i32
      %dma_start3A_92 = tpu.memref_slice %arg2[%dma_start3A_90, %dma_start3A_91] : memref<1000000x32xf32, #tpu.memory_space<hbm>> -> memref<1000000x32xf32, #tpu.memory_space<hbm>>
      tpu.enqueue_indirect_dma source(%dma_start3A_92 : memref<1000000x32xf32, #tpu.memory_space<hbm>>) target(%dma_start3A_86 : memref<26x32xf32, #tpu.memory_space<vmem>>) offsets(%dma_start3A_89 : memref<26xi32, #tpu.memory_space<vmem>>) semaphore(%arg11 : memref<!tpu.dma_semaphore, #tpu.memory_space<semaphore_mem>>)
      %dma_start3A_93 = arith.constant 4 : i32
      %dma_start3A_94 = arith.constant 4 : i32
      %dma_start3A_95 = arith.constant 0 : i32
      %dma_start3A_96 = arith.constant 0 : i32
      %dma_start3A_97 = tpu.memref_slice %arg7[%dma_start3A_94, %dma_start3A_95, %dma_start3A_96] : memref<32x26x32xf32, #tpu.memory_space<vmem>> -> memref<1x26x32xf32, #tpu.memory_space<vmem>>
      %dma_start3A_98 = tpu.memref_squeeze %dma_start3A_97 : memref<1x26x32xf32, #tpu.memory_space<vmem>> -> memref<26x32xf32, #tpu.memory_space<vmem>>
      %dma_start3A_99 = arith.constant 0 : i32
      %dma_start3A_100 = tpu.memref_slice %arg5[%dma_start3A_93, %dma_start3A_99] : memref<32x26xi32, #tpu.memory_space<vmem>> -> memref<1x26xi32, #tpu.memory_space<vmem>>
      %dma_start3A_101 = tpu.memref_squeeze %dma_start3A_100 : memref<1x26xi32, #tpu.memory_space<vmem>> -> memref<26xi32, #tpu.memory_space<vmem>>
      %dma_start3A_102 = arith.constant 0 : i32
      %dma_start3A_103 = arith.constant 0 : i32
      %dma_start3A_104 = tpu.memref_slice %arg2[%dma_start3A_102, %dma_start3A_103] : memref<1000000x32xf32, #tpu.memory_space<hbm>> -> memref<1000000x32xf32, #tpu.memory_space<hbm>>
      tpu.enqueue_indirect_dma source(%dma_start3A_104 : memref<1000000x32xf32, #tpu.memory_space<hbm>>) target(%dma_start3A_98 : memref<26x32xf32, #tpu.memory_space<vmem>>) offsets(%dma_start3A_101 : memref<26xi32, #tpu.memory_space<vmem>>) semaphore(%arg11 : memref<!tpu.dma_semaphore, #tpu.memory_space<semaphore_mem>>)
      %dma_start3A_105 = arith.constant 5 : i32
      %dma_start3A_106 = arith.constant 5 : i32
      %dma_start3A_107 = arith.constant 0 : i32
      %dma_start3A_108 = arith.constant 0 : i32
      %dma_start3A_109 = tpu.memref_slice %arg7[%dma_start3A_106, %dma_start3A_107, %dma_start3A_108] : memref<32x26x32xf32, #tpu.memory_space<vmem>> -> memref<1x26x32xf32, #tpu.memory_space<vmem>>
      %dma_start3A_110 = tpu.memref_squeeze %dma_start3A_109 : memref<1x26x32xf32, #tpu.memory_space<vmem>> -> memref<26x32xf32, #tpu.memory_space<vmem>>
      %dma_start3A_111 = arith.constant 0 : i32
      %dma_start3A_112 = tpu.memref_slice %arg5[%dma_start3A_105, %dma_start3A_111] : memref<32x26xi32, #tpu.memory_space<vmem>> -> memref<1x26xi32, #tpu.memory_space<vmem>>
      %dma_start3A_113 = tpu.memref_squeeze %dma_start3A_112 : memref<1x26xi32, #tpu.memory_space<vmem>> -> memref<26xi32, #tpu.memory_space<vmem>>
      %dma_start3A_114 = arith.constant 0 : i32
      %dma_start3A_115 = arith.constant 0 : i32
      %dma_start3A_116 = tpu.memref_slice %arg2[%dma_start3A_114, %dma_start3A_115] : memref<1000000x32xf32, #tpu.memory_space<hbm>> -> memref<1000000x32xf32, #tpu.memory_space<hbm>>
      tpu.enqueue_indirect_dma source(%dma_start3A_116 : memref<1000000x32xf32, #tpu.memory_space<hbm>>) target(%dma_start3A_110 : memref<26x32xf32, #tpu.memory_space<vmem>>) offsets(%dma_start3A_113 : memref<26xi32, #tpu.memory_space<vmem>>) semaphore(%arg11 : memref<!tpu.dma_semaphore, #tpu.memory_space<semaphore_mem>>)
      %dma_start3A_117 = arith.constant 6 : i32
      %dma_start3A_118 = arith.constant 6 : i32
      %dma_start3A_119 = arith.constant 0 : i32
      %dma_start3A_120 = arith.constant 0 : i32
      %dma_start3A_121 = tpu.memref_slice %arg7[%dma_start3A_118, %dma_start3A_119, %dma_start3A_120] : memref<32x26x32xf32, #tpu.memory_space<vmem>> -> memref<1x26x32xf32, #tpu.memory_space<vmem>>
      %dma_start3A_122 = tpu.memref_squeeze %dma_start3A_121 : memref<1x26x32xf32, #tpu.memory_space<vmem>> -> memref<26x32xf32, #tpu.memory_space<vmem>>
      %dma_start3A_123 = arith.constant 0 : i32
      %dma_start3A_124 = tpu.memref_slice %arg5[%dma_start3A_117, %dma_start3A_123] : memref<32x26xi32, #tpu.memory_space<vmem>> -> memref<1x26xi32, #tpu.memory_space<vmem>>
      %dma_start3A_125 = tpu.memref_squeeze %dma_start3A_124 : memref<1x26xi32, #tpu.memory_space<vmem>> -> memref<26xi32, #tpu.memory_space<vmem>>
      %dma_start3A_126 = arith.constant 0 : i32
      %dma_start3A_127 = arith.constant 0 : i32
      %dma_start3A_128 = tpu.memref_slice %arg2[%dma_start3A_126, %dma_start3A_127] : memref<1000000x32xf32, #tpu.memory_space<hbm>> -> memref<1000000x32xf32, #tpu.memory_space<hbm>>
      tpu.enqueue_indirect_dma source(%dma_start3A_128 : memref<1000000x32xf32, #tpu.memory_space<hbm>>) target(%dma_start3A_122 : memref<26x32xf32, #tpu.memory_space<vmem>>) offsets(%dma_start3A_125 : memref<26xi32, #tpu.memory_space<vmem>>) semaphore(%arg11 : memref<!tpu.dma_semaphore, #tpu.memory_space<semaphore_mem>>)
      %dma_start3A_129 = arith.constant 7 : i32
      %dma_start3A_130 = arith.constant 7 : i32
      %dma_start3A_131 = arith.constant 0 : i32
      %dma_start3A_132 = arith.constant 0 : i32
      %dma_start3A_133 = tpu.memref_slice %arg7[%dma_start3A_130, %dma_start3A_131, %dma_start3A_132] : memref<32x26x32xf32, #tpu.memory_space<vmem>> -> memref<1x26x32xf32, #tpu.memory_space<vmem>>
      %dma_start3A_134 = tpu.memref_squeeze %dma_start3A_133 : memref<1x26x32xf32, #tpu.memory_space<vmem>> -> memref<26x32xf32, #tpu.memory_space<vmem>>
      %dma_start3A_135 = arith.constant 0 : i32
      %dma_start3A_136 = tpu.memref_slice %arg5[%dma_start3A_129, %dma_start3A_135] : memref<32x26xi32, #tpu.memory_space<vmem>> -> memref<1x26xi32, #tpu.memory_space<vmem>>
      %dma_start3A_137 = tpu.memref_squeeze %dma_start3A_136 : memref<1x26xi32, #tpu.memory_space<vmem>> -> memref<26xi32, #tpu.memory_space<vmem>>
      %dma_start3A_138 = arith.constant 0 : i32
      %dma_start3A_139 = arith.constant 0 : i32
      %dma_start3A_140 = tpu.memref_slice %arg2[%dma_start3A_138, %dma_start3A_139] : memref<1000000x32xf32, #tpu.memory_space<hbm>> -> memref<1000000x32xf32, #tpu.memory_space<hbm>>
      tpu.enqueue_indirect_dma source(%dma_start3A_140 : memref<1000000x32xf32, #tpu.memory_space<hbm>>) target(%dma_start3A_134 : memref<26x32xf32, #tpu.memory_space<vmem>>) offsets(%dma_start3A_137 : memref<26xi32, #tpu.memory_space<vmem>>) semaphore(%arg11 : memref<!tpu.dma_semaphore, #tpu.memory_space<semaphore_mem>>)
      %dma_start3A_141 = arith.constant 8 : i32
      %dma_start3A_142 = arith.constant 8 : i32
      %dma_start3A_143 = arith.constant 0 : i32
      %dma_start3A_144 = arith.constant 0 : i32
      %dma_start3A_145 = tpu.memref_slice %arg7[%dma_start3A_142, %dma_start3A_143, %dma_start3A_144] : memref<32x26x32xf32, #tpu.memory_space<vmem>> -> memref<1x26x32xf32, #tpu.memory_space<vmem>>
      %dma_start3A_146 = tpu.memref_squeeze %dma_start3A_145 : memref<1x26x32xf32, #tpu.memory_space<vmem>> -> memref<26x32xf32, #tpu.memory_space<vmem>>
      %dma_start3A_147 = arith.constant 0 : i32
      %dma_start3A_148 = tpu.memref_slice %arg5[%dma_start3A_141, %dma_start3A_147] : memref<32x26xi32, #tpu.memory_space<vmem>> -> memref<1x26xi32, #tpu.memory_space<vmem>>
      %dma_start3A_149 = tpu.memref_squeeze %dma_start3A_148 : memref<1x26xi32, #tpu.memory_space<vmem>> -> memref<26xi32, #tpu.memory_space<vmem>>
      %dma_start3A_150 = arith.constant 0 : i32
      %dma_start3A_151 = arith.constant 0 : i32
      %dma_start3A_152 = tpu.memref_slice %arg2[%dma_start3A_150, %dma_start3A_151] : memref<1000000x32xf32, #tpu.memory_space<hbm>> -> memref<1000000x32xf32, #tpu.memory_space<hbm>>
      tpu.enqueue_indirect_dma source(%dma_start3A_152 : memref<1000000x32xf32, #tpu.memory_space<hbm>>) target(%dma_start3A_146 : memref<26x32xf32, #tpu.memory_space<vmem>>) offsets(%dma_start3A_149 : memref<26xi32, #tpu.memory_space<vmem>>) semaphore(%arg11 : memref<!tpu.dma_semaphore, #tpu.memory_space<semaphore_mem>>)
      %dma_start3A_153 = arith.constant 9 : i32
      %dma_start3A_154 = arith.constant 9 : i32
      %dma_start3A_155 = arith.constant 0 : i32
      %dma_start3A_156 = arith.constant 0 : i32
      %dma_start3A_157 = tpu.memref_slice %arg7[%dma_start3A_154, %dma_start3A_155, %dma_start3A_156] : memref<32x26x32xf32, #tpu.memory_space<vmem>> -> memref<1x26x32xf32, #tpu.memory_space<vmem>>
      %dma_start3A_158 = tpu.memref_squeeze %dma_start3A_157 : memref<1x26x32xf32, #tpu.memory_space<vmem>> -> memref<26x32xf32, #tpu.memory_space<vmem>>
      %dma_start3A_159 = arith.constant 0 : i32
      %dma_start3A_160 = tpu.memref_slice %arg5[%dma_start3A_153, %dma_start3A_159] : memref<32x26xi32, #tpu.memory_space<vmem>> -> memref<1x26xi32, #tpu.memory_space<vmem>>
      %dma_start3A_161 = tpu.memref_squeeze %dma_start3A_160 : memref<1x26xi32, #tpu.memory_space<vmem>> -> memref<26xi32, #tpu.memory_space<vmem>>
      %dma_start3A_162 = arith.constant 0 : i32
      %dma_start3A_163 = arith.constant 0 : i32
      %dma_start3A_164 = tpu.memref_slice %arg2[%dma_start3A_162, %dma_start3A_163] : memref<1000000x32xf32, #tpu.memory_space<hbm>> -> memref<1000000x32xf32, #tpu.memory_space<hbm>>
      tpu.enqueue_indirect_dma source(%dma_start3A_164 : memref<1000000x32xf32, #tpu.memory_space<hbm>>) target(%dma_start3A_158 : memref<26x32xf32, #tpu.memory_space<vmem>>) offsets(%dma_start3A_161 : memref<26xi32, #tpu.memory_space<vmem>>) semaphore(%arg11 : memref<!tpu.dma_semaphore, #tpu.memory_space<semaphore_mem>>)
      %dma_start3A_165 = arith.constant 10 : i32
      %dma_start3A_166 = arith.constant 10 : i32
      %dma_start3A_167 = arith.constant 0 : i32
      %dma_start3A_168 = arith.constant 0 : i32
      %dma_start3A_169 = tpu.memref_slice %arg7[%dma_start3A_166, %dma_start3A_167, %dma_start3A_168] : memref<32x26x32xf32, #tpu.memory_space<vmem>> -> memref<1x26x32xf32, #tpu.memory_space<vmem>>
      %dma_start3A_170 = tpu.memref_squeeze %dma_start3A_169 : memref<1x26x32xf32, #tpu.memory_space<vmem>> -> memref<26x32xf32, #tpu.memory_space<vmem>>
      %dma_start3A_171 = arith.constant 0 : i32
      %dma_start3A_172 = tpu.memref_slice %arg5[%dma_start3A_165, %dma_start3A_171] : memref<32x26xi32, #tpu.memory_space<vmem>> -> memref<1x26xi32, #tpu.memory_space<vmem>>
      %dma_start3A_173 = tpu.memref_squeeze %dma_start3A_172 : memref<1x26xi32, #tpu.memory_space<vmem>> -> memref<26xi32, #tpu.memory_space<vmem>>
      %dma_start3A_174 = arith.constant 0 : i32
      %dma_start3A_175 = arith.constant 0 : i32
      %dma_start3A_176 = tpu.memref_slice %arg2[%dma_start3A_174, %dma_start3A_175] : memref<1000000x32xf32, #tpu.memory_space<hbm>> -> memref<1000000x32xf32, #tpu.memory_space<hbm>>
      tpu.enqueue_indirect_dma source(%dma_start3A_176 : memref<1000000x32xf32, #tpu.memory_space<hbm>>) target(%dma_start3A_170 : memref<26x32xf32, #tpu.memory_space<vmem>>) offsets(%dma_start3A_173 : memref<26xi32, #tpu.memory_space<vmem>>) semaphore(%arg11 : memref<!tpu.dma_semaphore, #tpu.memory_space<semaphore_mem>>)
      %dma_start3A_177 = arith.constant 11 : i32
      %dma_start3A_178 = arith.constant 11 : i32
      %dma_start3A_179 = arith.constant 0 : i32
      %dma_start3A_180 = arith.constant 0 : i32
      %dma_start3A_181 = tpu.memref_slice %arg7[%dma_start3A_178, %dma_start3A_179, %dma_start3A_180] : memref<32x26x32xf32, #tpu.memory_space<vmem>> -> memref<1x26x32xf32, #tpu.memory_space<vmem>>
      %dma_start3A_182 = tpu.memref_squeeze %dma_start3A_181 : memref<1x26x32xf32, #tpu.memory_space<vmem>> -> memref<26x32xf32, #tpu.memory_space<vmem>>
      %dma_start3A_183 = arith.constant 0 : i32
      %dma_start3A_184 = tpu.memref_slice %arg5[%dma_start3A_177, %dma_start3A_183] : memref<32x26xi32, #tpu.memory_space<vmem>> -> memref<1x26xi32, #tpu.memory_space<vmem>>
      %dma_start3A_185 = tpu.memref_squeeze %dma_start3A_184 : memref<1x26xi32, #tpu.memory_space<vmem>> -> memref<26xi32, #tpu.memory_space<vmem>>
      %dma_start3A_186 = arith.constant 0 : i32
      %dma_start3A_187 = arith.constant 0 : i32
      %dma_start3A_188 = tpu.memref_slice %arg2[%dma_start3A_186, %dma_start3A_187] : memref<1000000x32xf32, #tpu.memory_space<hbm>> -> memref<1000000x32xf32, #tpu.memory_space<hbm>>
      tpu.enqueue_indirect_dma source(%dma_start3A_188 : memref<1000000x32xf32, #tpu.memory_space<hbm>>) target(%dma_start3A_182 : memref<26x32xf32, #tpu.memory_space<vmem>>) offsets(%dma_start3A_185 : memref<26xi32, #tpu.memory_space<vmem>>) semaphore(%arg11 : memref<!tpu.dma_semaphore, #tpu.memory_space<semaphore_mem>>)
      %dma_start3A_189 = arith.constant 12 : i32
      %dma_start3A_190 = arith.constant 12 : i32
      %dma_start3A_191 = arith.constant 0 : i32
      %dma_start3A_192 = arith.constant 0 : i32
      %dma_start3A_193 = tpu.memref_slice %arg7[%dma_start3A_190, %dma_start3A_191, %dma_start3A_192] : memref<32x26x32xf32, #tpu.memory_space<vmem>> -> memref<1x26x32xf32, #tpu.memory_space<vmem>>
      %dma_start3A_194 = tpu.memref_squeeze %dma_start3A_193 : memref<1x26x32xf32, #tpu.memory_space<vmem>> -> memref<26x32xf32, #tpu.memory_space<vmem>>
      %dma_start3A_195 = arith.constant 0 : i32
      %dma_start3A_196 = tpu.memref_slice %arg5[%dma_start3A_189, %dma_start3A_195] : memref<32x26xi32, #tpu.memory_space<vmem>> -> memref<1x26xi32, #tpu.memory_space<vmem>>
      %dma_start3A_197 = tpu.memref_squeeze %dma_start3A_196 : memref<1x26xi32, #tpu.memory_space<vmem>> -> memref<26xi32, #tpu.memory_space<vmem>>
      %dma_start3A_198 = arith.constant 0 : i32
      %dma_start3A_199 = arith.constant 0 : i32
      %dma_start3A_200 = tpu.memref_slice %arg2[%dma_start3A_198, %dma_start3A_199] : memref<1000000x32xf32, #tpu.memory_space<hbm>> -> memref<1000000x32xf32, #tpu.memory_space<hbm>>
      tpu.enqueue_indirect_dma source(%dma_start3A_200 : memref<1000000x32xf32, #tpu.memory_space<hbm>>) target(%dma_start3A_194 : memref<26x32xf32, #tpu.memory_space<vmem>>) offsets(%dma_start3A_197 : memref<26xi32, #tpu.memory_space<vmem>>) semaphore(%arg11 : memref<!tpu.dma_semaphore, #tpu.memory_space<semaphore_mem>>)
      %dma_start3A_201 = arith.constant 13 : i32
      %dma_start3A_202 = arith.constant 13 : i32
      %dma_start3A_203 = arith.constant 0 : i32
      %dma_start3A_204 = arith.constant 0 : i32
      %dma_start3A_205 = tpu.memref_slice %arg7[%dma_start3A_202, %dma_start3A_203, %dma_start3A_204] : memref<32x26x32xf32, #tpu.memory_space<vmem>> -> memref<1x26x32xf32, #tpu.memory_space<vmem>>
      %dma_start3A_206 = tpu.memref_squeeze %dma_start3A_205 : memref<1x26x32xf32, #tpu.memory_space<vmem>> -> memref<26x32xf32, #tpu.memory_space<vmem>>
      %dma_start3A_207 = arith.constant 0 : i32
      %dma_start3A_208 = tpu.memref_slice %arg5[%dma_start3A_201, %dma_start3A_207] : memref<32x26xi32, #tpu.memory_space<vmem>> -> memref<1x26xi32, #tpu.memory_space<vmem>>
      %dma_start3A_209 = tpu.memref_squeeze %dma_start3A_208 : memref<1x26xi32, #tpu.memory_space<vmem>> -> memref<26xi32, #tpu.memory_space<vmem>>
      %dma_start3A_210 = arith.constant 0 : i32
      %dma_start3A_211 = arith.constant 0 : i32
      %dma_start3A_212 = tpu.memref_slice %arg2[%dma_start3A_210, %dma_start3A_211] : memref<1000000x32xf32, #tpu.memory_space<hbm>> -> memref<1000000x32xf32, #tpu.memory_space<hbm>>
      tpu.enqueue_indirect_dma source(%dma_start3A_212 : memref<1000000x32xf32, #tpu.memory_space<hbm>>) target(%dma_start3A_206 : memref<26x32xf32, #tpu.memory_space<vmem>>) offsets(%dma_start3A_209 : memref<26xi32, #tpu.memory_space<vmem>>) semaphore(%arg11 : memref<!tpu.dma_semaphore, #tpu.memory_space<semaphore_mem>>)
      %dma_start3A_213 = arith.constant 14 : i32
      %dma_start3A_214 = arith.constant 14 : i32
      %dma_start3A_215 = arith.constant 0 : i32
      %dma_start3A_216 = arith.constant 0 : i32
      %dma_start3A_217 = tpu.memref_slice %arg7[%dma_start3A_214, %dma_start3A_215, %dma_start3A_216] : memref<32x26x32xf32, #tpu.memory_space<vmem>> -> memref<1x26x32xf32, #tpu.memory_space<vmem>>
      %dma_start3A_218 = tpu.memref_squeeze %dma_start3A_217 : memref<1x26x32xf32, #tpu.memory_space<vmem>> -> memref<26x32xf32, #tpu.memory_space<vmem>>
      %dma_start3A_219 = arith.constant 0 : i32
      %dma_start3A_220 = tpu.memref_slice %arg5[%dma_start3A_213, %dma_start3A_219] : memref<32x26xi32, #tpu.memory_space<vmem>> -> memref<1x26xi32, #tpu.memory_space<vmem>>
      %dma_start3A_221 = tpu.memref_squeeze %dma_start3A_220 : memref<1x26xi32, #tpu.memory_space<vmem>> -> memref<26xi32, #tpu.memory_space<vmem>>
      %dma_start3A_222 = arith.constant 0 : i32
      %dma_start3A_223 = arith.constant 0 : i32
      %dma_start3A_224 = tpu.memref_slice %arg2[%dma_start3A_222, %dma_start3A_223] : memref<1000000x32xf32, #tpu.memory_space<hbm>> -> memref<1000000x32xf32, #tpu.memory_space<hbm>>
      tpu.enqueue_indirect_dma source(%dma_start3A_224 : memref<1000000x32xf32, #tpu.memory_space<hbm>>) target(%dma_start3A_218 : memref<26x32xf32, #tpu.memory_space<vmem>>) offsets(%dma_start3A_221 : memref<26xi32, #tpu.memory_space<vmem>>) semaphore(%arg11 : memref<!tpu.dma_semaphore, #tpu.memory_space<semaphore_mem>>)
      %dma_start3A_225 = arith.constant 15 : i32
      %dma_start3A_226 = arith.constant 15 : i32
      %dma_start3A_227 = arith.constant 0 : i32
      %dma_start3A_228 = arith.constant 0 : i32
      %dma_start3A_229 = tpu.memref_slice %arg7[%dma_start3A_226, %dma_start3A_227, %dma_start3A_228] : memref<32x26x32xf32, #tpu.memory_space<vmem>> -> memref<1x26x32xf32, #tpu.memory_space<vmem>>
      %dma_start3A_230 = tpu.memref_squeeze %dma_start3A_229 : memref<1x26x32xf32, #tpu.memory_space<vmem>> -> memref<26x32xf32, #tpu.memory_space<vmem>>
      %dma_start3A_231 = arith.constant 0 : i32
      %dma_start3A_232 = tpu.memref_slice %arg5[%dma_start3A_225, %dma_start3A_231] : memref<32x26xi32, #tpu.memory_space<vmem>> -> memref<1x26xi32, #tpu.memory_space<vmem>>
      %dma_start3A_233 = tpu.memref_squeeze %dma_start3A_232 : memref<1x26xi32, #tpu.memory_space<vmem>> -> memref<26xi32, #tpu.memory_space<vmem>>
      %dma_start3A_234 = arith.constant 0 : i32
      %dma_start3A_235 = arith.constant 0 : i32
      %dma_start3A_236 = tpu.memref_slice %arg2[%dma_start3A_234, %dma_start3A_235] : memref<1000000x32xf32, #tpu.memory_space<hbm>> -> memref<1000000x32xf32, #tpu.memory_space<hbm>>
      tpu.enqueue_indirect_dma source(%dma_start3A_236 : memref<1000000x32xf32, #tpu.memory_space<hbm>>) target(%dma_start3A_230 : memref<26x32xf32, #tpu.memory_space<vmem>>) offsets(%dma_start3A_233 : memref<26xi32, #tpu.memory_space<vmem>>) semaphore(%arg11 : memref<!tpu.dma_semaphore, #tpu.memory_space<semaphore_mem>>)
      %dma_start3A_237 = arith.constant 16 : i32
      %dma_start3A_238 = arith.constant 16 : i32
      %dma_start3A_239 = arith.constant 0 : i32
      %dma_start3A_240 = arith.constant 0 : i32
      %dma_start3A_241 = tpu.memref_slice %arg7[%dma_start3A_238, %dma_start3A_239, %dma_start3A_240] : memref<32x26x32xf32, #tpu.memory_space<vmem>> -> memref<1x26x32xf32, #tpu.memory_space<vmem>>
      %dma_start3A_242 = tpu.memref_squeeze %dma_start3A_241 : memref<1x26x32xf32, #tpu.memory_space<vmem>> -> memref<26x32xf32, #tpu.memory_space<vmem>>
      %dma_start3A_243 = arith.constant 0 : i32
      %dma_start3A_244 = tpu.memref_slice %arg5[%dma_start3A_237, %dma_start3A_243] : memref<32x26xi32, #tpu.memory_space<vmem>> -> memref<1x26xi32, #tpu.memory_space<vmem>>
      %dma_start3A_245 = tpu.memref_squeeze %dma_start3A_244 : memref<1x26xi32, #tpu.memory_space<vmem>> -> memref<26xi32, #tpu.memory_space<vmem>>
      %dma_start3A_246 = arith.constant 0 : i32
      %dma_start3A_247 = arith.constant 0 : i32
      %dma_start3A_248 = tpu.memref_slice %arg2[%dma_start3A_246, %dma_start3A_247] : memref<1000000x32xf32, #tpu.memory_space<hbm>> -> memref<1000000x32xf32, #tpu.memory_space<hbm>>
      tpu.enqueue_indirect_dma source(%dma_start3A_248 : memref<1000000x32xf32, #tpu.memory_space<hbm>>) target(%dma_start3A_242 : memref<26x32xf32, #tpu.memory_space<vmem>>) offsets(%dma_start3A_245 : memref<26xi32, #tpu.memory_space<vmem>>) semaphore(%arg11 : memref<!tpu.dma_semaphore, #tpu.memory_space<semaphore_mem>>)
      %dma_start3A_249 = arith.constant 17 : i32
      %dma_start3A_250 = arith.constant 17 : i32
      %dma_start3A_251 = arith.constant 0 : i32
      %dma_start3A_252 = arith.constant 0 : i32
      %dma_start3A_253 = tpu.memref_slice %arg7[%dma_start3A_250, %dma_start3A_251, %dma_start3A_252] : memref<32x26x32xf32, #tpu.memory_space<vmem>> -> memref<1x26x32xf32, #tpu.memory_space<vmem>>
      %dma_start3A_254 = tpu.memref_squeeze %dma_start3A_253 : memref<1x26x32xf32, #tpu.memory_space<vmem>> -> memref<26x32xf32, #tpu.memory_space<vmem>>
      %dma_start3A_255 = arith.constant 0 : i32
      %dma_start3A_256 = tpu.memref_slice %arg5[%dma_start3A_249, %dma_start3A_255] : memref<32x26xi32, #tpu.memory_space<vmem>> -> memref<1x26xi32, #tpu.memory_space<vmem>>
      %dma_start3A_257 = tpu.memref_squeeze %dma_start3A_256 : memref<1x26xi32, #tpu.memory_space<vmem>> -> memref<26xi32, #tpu.memory_space<vmem>>
      %dma_start3A_258 = arith.constant 0 : i32
      %dma_start3A_259 = arith.constant 0 : i32
      %dma_start3A_260 = tpu.memref_slice %arg2[%dma_start3A_258, %dma_start3A_259] : memref<1000000x32xf32, #tpu.memory_space<hbm>> -> memref<1000000x32xf32, #tpu.memory_space<hbm>>
      tpu.enqueue_indirect_dma source(%dma_start3A_260 : memref<1000000x32xf32, #tpu.memory_space<hbm>>) target(%dma_start3A_254 : memref<26x32xf32, #tpu.memory_space<vmem>>) offsets(%dma_start3A_257 : memref<26xi32, #tpu.memory_space<vmem>>) semaphore(%arg11 : memref<!tpu.dma_semaphore, #tpu.memory_space<semaphore_mem>>)
      %dma_start3A_261 = arith.constant 18 : i32
      %dma_start3A_262 = arith.constant 18 : i32
      %dma_start3A_263 = arith.constant 0 : i32
      %dma_start3A_264 = arith.constant 0 : i32
      %dma_start3A_265 = tpu.memref_slice %arg7[%dma_start3A_262, %dma_start3A_263, %dma_start3A_264] : memref<32x26x32xf32, #tpu.memory_space<vmem>> -> memref<1x26x32xf32, #tpu.memory_space<vmem>>
      %dma_start3A_266 = tpu.memref_squeeze %dma_start3A_265 : memref<1x26x32xf32, #tpu.memory_space<vmem>> -> memref<26x32xf32, #tpu.memory_space<vmem>>
      %dma_start3A_267 = arith.constant 0 : i32
      %dma_start3A_268 = tpu.memref_slice %arg5[%dma_start3A_261, %dma_start3A_267] : memref<32x26xi32, #tpu.memory_space<vmem>> -> memref<1x26xi32, #tpu.memory_space<vmem>>
      %dma_start3A_269 = tpu.memref_squeeze %dma_start3A_268 : memref<1x26xi32, #tpu.memory_space<vmem>> -> memref<26xi32, #tpu.memory_space<vmem>>
      %dma_start3A_270 = arith.constant 0 : i32
      %dma_start3A_271 = arith.constant 0 : i32
      %dma_start3A_272 = tpu.memref_slice %arg2[%dma_start3A_270, %dma_start3A_271] : memref<1000000x32xf32, #tpu.memory_space<hbm>> -> memref<1000000x32xf32, #tpu.memory_space<hbm>>
      tpu.enqueue_indirect_dma source(%dma_start3A_272 : memref<1000000x32xf32, #tpu.memory_space<hbm>>) target(%dma_start3A_266 : memref<26x32xf32, #tpu.memory_space<vmem>>) offsets(%dma_start3A_269 : memref<26xi32, #tpu.memory_space<vmem>>) semaphore(%arg11 : memref<!tpu.dma_semaphore, #tpu.memory_space<semaphore_mem>>)
      %dma_start3A_273 = arith.constant 19 : i32
      %dma_start3A_274 = arith.constant 19 : i32
      %dma_start3A_275 = arith.constant 0 : i32
      %dma_start3A_276 = arith.constant 0 : i32
      %dma_start3A_277 = tpu.memref_slice %arg7[%dma_start3A_274, %dma_start3A_275, %dma_start3A_276] : memref<32x26x32xf32, #tpu.memory_space<vmem>> -> memref<1x26x32xf32, #tpu.memory_space<vmem>>
      %dma_start3A_278 = tpu.memref_squeeze %dma_start3A_277 : memref<1x26x32xf32, #tpu.memory_space<vmem>> -> memref<26x32xf32, #tpu.memory_space<vmem>>
      %dma_start3A_279 = arith.constant 0 : i32
      %dma_start3A_280 = tpu.memref_slice %arg5[%dma_start3A_273, %dma_start3A_279] : memref<32x26xi32, #tpu.memory_space<vmem>> -> memref<1x26xi32, #tpu.memory_space<vmem>>
      %dma_start3A_281 = tpu.memref_squeeze %dma_start3A_280 : memref<1x26xi32, #tpu.memory_space<vmem>> -> memref<26xi32, #tpu.memory_space<vmem>>
      %dma_start3A_282 = arith.constant 0 : i32
      %dma_start3A_283 = arith.constant 0 : i32
      %dma_start3A_284 = tpu.memref_slice %arg2[%dma_start3A_282, %dma_start3A_283] : memref<1000000x32xf32, #tpu.memory_space<hbm>> -> memref<1000000x32xf32, #tpu.memory_space<hbm>>
      tpu.enqueue_indirect_dma source(%dma_start3A_284 : memref<1000000x32xf32, #tpu.memory_space<hbm>>) target(%dma_start3A_278 : memref<26x32xf32, #tpu.memory_space<vmem>>) offsets(%dma_start3A_281 : memref<26xi32, #tpu.memory_space<vmem>>) semaphore(%arg11 : memref<!tpu.dma_semaphore, #tpu.memory_space<semaphore_mem>>)
      %dma_start3A_285 = arith.constant 20 : i32
      %dma_start3A_286 = arith.constant 20 : i32
      %dma_start3A_287 = arith.constant 0 : i32
      %dma_start3A_288 = arith.constant 0 : i32
      %dma_start3A_289 = tpu.memref_slice %arg7[%dma_start3A_286, %dma_start3A_287, %dma_start3A_288] : memref<32x26x32xf32, #tpu.memory_space<vmem>> -> memref<1x26x32xf32, #tpu.memory_space<vmem>>
      %dma_start3A_290 = tpu.memref_squeeze %dma_start3A_289 : memref<1x26x32xf32, #tpu.memory_space<vmem>> -> memref<26x32xf32, #tpu.memory_space<vmem>>
      %dma_start3A_291 = arith.constant 0 : i32
      %dma_start3A_292 = tpu.memref_slice %arg5[%dma_start3A_285, %dma_start3A_291] : memref<32x26xi32, #tpu.memory_space<vmem>> -> memref<1x26xi32, #tpu.memory_space<vmem>>
      %dma_start3A_293 = tpu.memref_squeeze %dma_start3A_292 : memref<1x26xi32, #tpu.memory_space<vmem>> -> memref<26xi32, #tpu.memory_space<vmem>>
      %dma_start3A_294 = arith.constant 0 : i32
      %dma_start3A_295 = arith.constant 0 : i32
      %dma_start3A_296 = tpu.memref_slice %arg2[%dma_start3A_294, %dma_start3A_295] : memref<1000000x32xf32, #tpu.memory_space<hbm>> -> memref<1000000x32xf32, #tpu.memory_space<hbm>>
      tpu.enqueue_indirect_dma source(%dma_start3A_296 : memref<1000000x32xf32, #tpu.memory_space<hbm>>) target(%dma_start3A_290 : memref<26x32xf32, #tpu.memory_space<vmem>>) offsets(%dma_start3A_293 : memref<26xi32, #tpu.memory_space<vmem>>) semaphore(%arg11 : memref<!tpu.dma_semaphore, #tpu.memory_space<semaphore_mem>>)
      %dma_start3A_297 = arith.constant 21 : i32
      %dma_start3A_298 = arith.constant 21 : i32
      %dma_start3A_299 = arith.constant 0 : i32
      %dma_start3A_300 = arith.constant 0 : i32
      %dma_start3A_301 = tpu.memref_slice %arg7[%dma_start3A_298, %dma_start3A_299, %dma_start3A_300] : memref<32x26x32xf32, #tpu.memory_space<vmem>> -> memref<1x26x32xf32, #tpu.memory_space<vmem>>
      %dma_start3A_302 = tpu.memref_squeeze %dma_start3A_301 : memref<1x26x32xf32, #tpu.memory_space<vmem>> -> memref<26x32xf32, #tpu.memory_space<vmem>>
      %dma_start3A_303 = arith.constant 0 : i32
      %dma_start3A_304 = tpu.memref_slice %arg5[%dma_start3A_297, %dma_start3A_303] : memref<32x26xi32, #tpu.memory_space<vmem>> -> memref<1x26xi32, #tpu.memory_space<vmem>>
      %dma_start3A_305 = tpu.memref_squeeze %dma_start3A_304 : memref<1x26xi32, #tpu.memory_space<vmem>> -> memref<26xi32, #tpu.memory_space<vmem>>
      %dma_start3A_306 = arith.constant 0 : i32
      %dma_start3A_307 = arith.constant 0 : i32
      %dma_start3A_308 = tpu.memref_slice %arg2[%dma_start3A_306, %dma_start3A_307] : memref<1000000x32xf32, #tpu.memory_space<hbm>> -> memref<1000000x32xf32, #tpu.memory_space<hbm>>
      tpu.enqueue_indirect_dma source(%dma_start3A_308 : memref<1000000x32xf32, #tpu.memory_space<hbm>>) target(%dma_start3A_302 : memref<26x32xf32, #tpu.memory_space<vmem>>) offsets(%dma_start3A_305 : memref<26xi32, #tpu.memory_space<vmem>>) semaphore(%arg11 : memref<!tpu.dma_semaphore, #tpu.memory_space<semaphore_mem>>)
      %dma_start3A_309 = arith.constant 22 : i32
      %dma_start3A_310 = arith.constant 22 : i32
      %dma_start3A_311 = arith.constant 0 : i32
      %dma_start3A_312 = arith.constant 0 : i32
      %dma_start3A_313 = tpu.memref_slice %arg7[%dma_start3A_310, %dma_start3A_311, %dma_start3A_312] : memref<32x26x32xf32, #tpu.memory_space<vmem>> -> memref<1x26x32xf32, #tpu.memory_space<vmem>>
      %dma_start3A_314 = tpu.memref_squeeze %dma_start3A_313 : memref<1x26x32xf32, #tpu.memory_space<vmem>> -> memref<26x32xf32, #tpu.memory_space<vmem>>
      %dma_start3A_315 = arith.constant 0 : i32
      %dma_start3A_316 = tpu.memref_slice %arg5[%dma_start3A_309, %dma_start3A_315] : memref<32x26xi32, #tpu.memory_space<vmem>> -> memref<1x26xi32, #tpu.memory_space<vmem>>
      %dma_start3A_317 = tpu.memref_squeeze %dma_start3A_316 : memref<1x26xi32, #tpu.memory_space<vmem>> -> memref<26xi32, #tpu.memory_space<vmem>>
      %dma_start3A_318 = arith.constant 0 : i32
      %dma_start3A_319 = arith.constant 0 : i32
      %dma_start3A_320 = tpu.memref_slice %arg2[%dma_start3A_318, %dma_start3A_319] : memref<1000000x32xf32, #tpu.memory_space<hbm>> -> memref<1000000x32xf32, #tpu.memory_space<hbm>>
      tpu.enqueue_indirect_dma source(%dma_start3A_320 : memref<1000000x32xf32, #tpu.memory_space<hbm>>) target(%dma_start3A_314 : memref<26x32xf32, #tpu.memory_space<vmem>>) offsets(%dma_start3A_317 : memref<26xi32, #tpu.memory_space<vmem>>) semaphore(%arg11 : memref<!tpu.dma_semaphore, #tpu.memory_space<semaphore_mem>>)
      %dma_start3A_321 = arith.constant 23 : i32
      %dma_start3A_322 = arith.constant 23 : i32
      %dma_start3A_323 = arith.constant 0 : i32
      %dma_start3A_324 = arith.constant 0 : i32
      %dma_start3A_325 = tpu.memref_slice %arg7[%dma_start3A_322, %dma_start3A_323, %dma_start3A_324] : memref<32x26x32xf32, #tpu.memory_space<vmem>> -> memref<1x26x32xf32, #tpu.memory_space<vmem>>
      %dma_start3A_326 = tpu.memref_squeeze %dma_start3A_325 : memref<1x26x32xf32, #tpu.memory_space<vmem>> -> memref<26x32xf32, #tpu.memory_space<vmem>>
      %dma_start3A_327 = arith.constant 0 : i32
      %dma_start3A_328 = tpu.memref_slice %arg5[%dma_start3A_321, %dma_start3A_327] : memref<32x26xi32, #tpu.memory_space<vmem>> -> memref<1x26xi32, #tpu.memory_space<vmem>>
      %dma_start3A_329 = tpu.memref_squeeze %dma_start3A_328 : memref<1x26xi32, #tpu.memory_space<vmem>> -> memref<26xi32, #tpu.memory_space<vmem>>
      %dma_start3A_330 = arith.constant 0 : i32
      %dma_start3A_331 = arith.constant 0 : i32
      %dma_start3A_332 = tpu.memref_slice %arg2[%dma_start3A_330, %dma_start3A_331] : memref<1000000x32xf32, #tpu.memory_space<hbm>> -> memref<1000000x32xf32, #tpu.memory_space<hbm>>
      tpu.enqueue_indirect_dma source(%dma_start3A_332 : memref<1000000x32xf32, #tpu.memory_space<hbm>>) target(%dma_start3A_326 : memref<26x32xf32, #tpu.memory_space<vmem>>) offsets(%dma_start3A_329 : memref<26xi32, #tpu.memory_space<vmem>>) semaphore(%arg11 : memref<!tpu.dma_semaphore, #tpu.memory_space<semaphore_mem>>)
      %dma_start3A_333 = arith.constant 24 : i32
      %dma_start3A_334 = arith.constant 24 : i32
      %dma_start3A_335 = arith.constant 0 : i32
      %dma_start3A_336 = arith.constant 0 : i32
      %dma_start3A_337 = tpu.memref_slice %arg7[%dma_start3A_334, %dma_start3A_335, %dma_start3A_336] : memref<32x26x32xf32, #tpu.memory_space<vmem>> -> memref<1x26x32xf32, #tpu.memory_space<vmem>>
      %dma_start3A_338 = tpu.memref_squeeze %dma_start3A_337 : memref<1x26x32xf32, #tpu.memory_space<vmem>> -> memref<26x32xf32, #tpu.memory_space<vmem>>
      %dma_start3A_339 = arith.constant 0 : i32
      %dma_start3A_340 = tpu.memref_slice %arg5[%dma_start3A_333, %dma_start3A_339] : memref<32x26xi32, #tpu.memory_space<vmem>> -> memref<1x26xi32, #tpu.memory_space<vmem>>
      %dma_start3A_341 = tpu.memref_squeeze %dma_start3A_340 : memref<1x26xi32, #tpu.memory_space<vmem>> -> memref<26xi32, #tpu.memory_space<vmem>>
      %dma_start3A_342 = arith.constant 0 : i32
      %dma_start3A_343 = arith.constant 0 : i32
      %dma_start3A_344 = tpu.memref_slice %arg2[%dma_start3A_342, %dma_start3A_343] : memref<1000000x32xf32, #tpu.memory_space<hbm>> -> memref<1000000x32xf32, #tpu.memory_space<hbm>>
      tpu.enqueue_indirect_dma source(%dma_start3A_344 : memref<1000000x32xf32, #tpu.memory_space<hbm>>) target(%dma_start3A_338 : memref<26x32xf32, #tpu.memory_space<vmem>>) offsets(%dma_start3A_341 : memref<26xi32, #tpu.memory_space<vmem>>) semaphore(%arg11 : memref<!tpu.dma_semaphore, #tpu.memory_space<semaphore_mem>>)
      %dma_start3A_345 = arith.constant 25 : i32
      %dma_start3A_346 = arith.constant 25 : i32
      %dma_start3A_347 = arith.constant 0 : i32
      %dma_start3A_348 = arith.constant 0 : i32
      %dma_start3A_349 = tpu.memref_slice %arg7[%dma_start3A_346, %dma_start3A_347, %dma_start3A_348] : memref<32x26x32xf32, #tpu.memory_space<vmem>> -> memref<1x26x32xf32, #tpu.memory_space<vmem>>
      %dma_start3A_350 = tpu.memref_squeeze %dma_start3A_349 : memref<1x26x32xf32, #tpu.memory_space<vmem>> -> memref<26x32xf32, #tpu.memory_space<vmem>>
      %dma_start3A_351 = arith.constant 0 : i32
      %dma_start3A_352 = tpu.memref_slice %arg5[%dma_start3A_345, %dma_start3A_351] : memref<32x26xi32, #tpu.memory_space<vmem>> -> memref<1x26xi32, #tpu.memory_space<vmem>>
      %dma_start3A_353 = tpu.memref_squeeze %dma_start3A_352 : memref<1x26xi32, #tpu.memory_space<vmem>> -> memref<26xi32, #tpu.memory_space<vmem>>
      %dma_start3A_354 = arith.constant 0 : i32
      %dma_start3A_355 = arith.constant 0 : i32
      %dma_start3A_356 = tpu.memref_slice %arg2[%dma_start3A_354, %dma_start3A_355] : memref<1000000x32xf32, #tpu.memory_space<hbm>> -> memref<1000000x32xf32, #tpu.memory_space<hbm>>
      tpu.enqueue_indirect_dma source(%dma_start3A_356 : memref<1000000x32xf32, #tpu.memory_space<hbm>>) target(%dma_start3A_350 : memref<26x32xf32, #tpu.memory_space<vmem>>) offsets(%dma_start3A_353 : memref<26xi32, #tpu.memory_space<vmem>>) semaphore(%arg11 : memref<!tpu.dma_semaphore, #tpu.memory_space<semaphore_mem>>)
      %dma_start3A_357 = arith.constant 26 : i32
      %dma_start3A_358 = arith.constant 26 : i32
      %dma_start3A_359 = arith.constant 0 : i32
      %dma_start3A_360 = arith.constant 0 : i32
      %dma_start3A_361 = tpu.memref_slice %arg7[%dma_start3A_358, %dma_start3A_359, %dma_start3A_360] : memref<32x26x32xf32, #tpu.memory_space<vmem>> -> memref<1x26x32xf32, #tpu.memory_space<vmem>>
      %dma_start3A_362 = tpu.memref_squeeze %dma_start3A_361 : memref<1x26x32xf32, #tpu.memory_space<vmem>> -> memref<26x32xf32, #tpu.memory_space<vmem>>
      %dma_start3A_363 = arith.constant 0 : i32
      %dma_start3A_364 = tpu.memref_slice %arg5[%dma_start3A_357, %dma_start3A_363] : memref<32x26xi32, #tpu.memory_space<vmem>> -> memref<1x26xi32, #tpu.memory_space<vmem>>
      %dma_start3A_365 = tpu.memref_squeeze %dma_start3A_364 : memref<1x26xi32, #tpu.memory_space<vmem>> -> memref<26xi32, #tpu.memory_space<vmem>>
      %dma_start3A_366 = arith.constant 0 : i32
      %dma_start3A_367 = arith.constant 0 : i32
      %dma_start3A_368 = tpu.memref_slice %arg2[%dma_start3A_366, %dma_start3A_367] : memref<1000000x32xf32, #tpu.memory_space<hbm>> -> memref<1000000x32xf32, #tpu.memory_space<hbm>>
      tpu.enqueue_indirect_dma source(%dma_start3A_368 : memref<1000000x32xf32, #tpu.memory_space<hbm>>) target(%dma_start3A_362 : memref<26x32xf32, #tpu.memory_space<vmem>>) offsets(%dma_start3A_365 : memref<26xi32, #tpu.memory_space<vmem>>) semaphore(%arg11 : memref<!tpu.dma_semaphore, #tpu.memory_space<semaphore_mem>>)
      %dma_start3A_369 = arith.constant 27 : i32
      %dma_start3A_370 = arith.constant 27 : i32
      %dma_start3A_371 = arith.constant 0 : i32
      %dma_start3A_372 = arith.constant 0 : i32
      %dma_start3A_373 = tpu.memref_slice %arg7[%dma_start3A_370, %dma_start3A_371, %dma_start3A_372] : memref<32x26x32xf32, #tpu.memory_space<vmem>> -> memref<1x26x32xf32, #tpu.memory_space<vmem>>
      %dma_start3A_374 = tpu.memref_squeeze %dma_start3A_373 : memref<1x26x32xf32, #tpu.memory_space<vmem>> -> memref<26x32xf32, #tpu.memory_space<vmem>>
      %dma_start3A_375 = arith.constant 0 : i32
      %dma_start3A_376 = tpu.memref_slice %arg5[%dma_start3A_369, %dma_start3A_375] : memref<32x26xi32, #tpu.memory_space<vmem>> -> memref<1x26xi32, #tpu.memory_space<vmem>>
      %dma_start3A_377 = tpu.memref_squeeze %dma_start3A_376 : memref<1x26xi32, #tpu.memory_space<vmem>> -> memref<26xi32, #tpu.memory_space<vmem>>
      %dma_start3A_378 = arith.constant 0 : i32
      %dma_start3A_379 = arith.constant 0 : i32
      %dma_start3A_380 = tpu.memref_slice %arg2[%dma_start3A_378, %dma_start3A_379] : memref<1000000x32xf32, #tpu.memory_space<hbm>> -> memref<1000000x32xf32, #tpu.memory_space<hbm>>
      tpu.enqueue_indirect_dma source(%dma_start3A_380 : memref<1000000x32xf32, #tpu.memory_space<hbm>>) target(%dma_start3A_374 : memref<26x32xf32, #tpu.memory_space<vmem>>) offsets(%dma_start3A_377 : memref<26xi32, #tpu.memory_space<vmem>>) semaphore(%arg11 : memref<!tpu.dma_semaphore, #tpu.memory_space<semaphore_mem>>)
      %dma_start3A_381 = arith.constant 28 : i32
      %dma_start3A_382 = arith.constant 28 : i32
      %dma_start3A_383 = arith.constant 0 : i32
      %dma_start3A_384 = arith.constant 0 : i32
      %dma_start3A_385 = tpu.memref_slice %arg7[%dma_start3A_382, %dma_start3A_383, %dma_start3A_384] : memref<32x26x32xf32, #tpu.memory_space<vmem>> -> memref<1x26x32xf32, #tpu.memory_space<vmem>>
      %dma_start3A_386 = tpu.memref_squeeze %dma_start3A_385 : memref<1x26x32xf32, #tpu.memory_space<vmem>> -> memref<26x32xf32, #tpu.memory_space<vmem>>
      %dma_start3A_387 = arith.constant 0 : i32
      %dma_start3A_388 = tpu.memref_slice %arg5[%dma_start3A_381, %dma_start3A_387] : memref<32x26xi32, #tpu.memory_space<vmem>> -> memref<1x26xi32, #tpu.memory_space<vmem>>
      %dma_start3A_389 = tpu.memref_squeeze %dma_start3A_388 : memref<1x26xi32, #tpu.memory_space<vmem>> -> memref<26xi32, #tpu.memory_space<vmem>>
      %dma_start3A_390 = arith.constant 0 : i32
      %dma_start3A_391 = arith.constant 0 : i32
      %dma_start3A_392 = tpu.memref_slice %arg2[%dma_start3A_390, %dma_start3A_391] : memref<1000000x32xf32, #tpu.memory_space<hbm>> -> memref<1000000x32xf32, #tpu.memory_space<hbm>>
      tpu.enqueue_indirect_dma source(%dma_start3A_392 : memref<1000000x32xf32, #tpu.memory_space<hbm>>) target(%dma_start3A_386 : memref<26x32xf32, #tpu.memory_space<vmem>>) offsets(%dma_start3A_389 : memref<26xi32, #tpu.memory_space<vmem>>) semaphore(%arg11 : memref<!tpu.dma_semaphore, #tpu.memory_space<semaphore_mem>>)
      %dma_start3A_393 = arith.constant 29 : i32
      %dma_start3A_394 = arith.constant 29 : i32
      %dma_start3A_395 = arith.constant 0 : i32
      %dma_start3A_396 = arith.constant 0 : i32
      %dma_start3A_397 = tpu.memref_slice %arg7[%dma_start3A_394, %dma_start3A_395, %dma_start3A_396] : memref<32x26x32xf32, #tpu.memory_space<vmem>> -> memref<1x26x32xf32, #tpu.memory_space<vmem>>
      %dma_start3A_398 = tpu.memref_squeeze %dma_start3A_397 : memref<1x26x32xf32, #tpu.memory_space<vmem>> -> memref<26x32xf32, #tpu.memory_space<vmem>>
      %dma_start3A_399 = arith.constant 0 : i32
      %dma_start3A_400 = tpu.memref_slice %arg5[%dma_start3A_393, %dma_start3A_399] : memref<32x26xi32, #tpu.memory_space<vmem>> -> memref<1x26xi32, #tpu.memory_space<vmem>>
      %dma_start3A_401 = tpu.memref_squeeze %dma_start3A_400 : memref<1x26xi32, #tpu.memory_space<vmem>> -> memref<26xi32, #tpu.memory_space<vmem>>
      %dma_start3A_402 = arith.constant 0 : i32
      %dma_start3A_403 = arith.constant 0 : i32
      %dma_start3A_404 = tpu.memref_slice %arg2[%dma_start3A_402, %dma_start3A_403] : memref<1000000x32xf32, #tpu.memory_space<hbm>> -> memref<1000000x32xf32, #tpu.memory_space<hbm>>
      tpu.enqueue_indirect_dma source(%dma_start3A_404 : memref<1000000x32xf32, #tpu.memory_space<hbm>>) target(%dma_start3A_398 : memref<26x32xf32, #tpu.memory_space<vmem>>) offsets(%dma_start3A_401 : memref<26xi32, #tpu.memory_space<vmem>>) semaphore(%arg11 : memref<!tpu.dma_semaphore, #tpu.memory_space<semaphore_mem>>)
      %dma_start3A_405 = arith.constant 30 : i32
      %dma_start3A_406 = arith.constant 30 : i32
      %dma_start3A_407 = arith.constant 0 : i32
      %dma_start3A_408 = arith.constant 0 : i32
      %dma_start3A_409 = tpu.memref_slice %arg7[%dma_start3A_406, %dma_start3A_407, %dma_start3A_408] : memref<32x26x32xf32, #tpu.memory_space<vmem>> -> memref<1x26x32xf32, #tpu.memory_space<vmem>>
      %dma_start3A_410 = tpu.memref_squeeze %dma_start3A_409 : memref<1x26x32xf32, #tpu.memory_space<vmem>> -> memref<26x32xf32, #tpu.memory_space<vmem>>
      %dma_start3A_411 = arith.constant 0 : i32
      %dma_start3A_412 = tpu.memref_slice %arg5[%dma_start3A_405, %dma_start3A_411] : memref<32x26xi32, #tpu.memory_space<vmem>> -> memref<1x26xi32, #tpu.memory_space<vmem>>
      %dma_start3A_413 = tpu.memref_squeeze %dma_start3A_412 : memref<1x26xi32, #tpu.memory_space<vmem>> -> memref<26xi32, #tpu.memory_space<vmem>>
      %dma_start3A_414 = arith.constant 0 : i32
      %dma_start3A_415 = arith.constant 0 : i32
      %dma_start3A_416 = tpu.memref_slice %arg2[%dma_start3A_414, %dma_start3A_415] : memref<1000000x32xf32, #tpu.memory_space<hbm>> -> memref<1000000x32xf32, #tpu.memory_space<hbm>>
      tpu.enqueue_indirect_dma source(%dma_start3A_416 : memref<1000000x32xf32, #tpu.memory_space<hbm>>) target(%dma_start3A_410 : memref<26x32xf32, #tpu.memory_space<vmem>>) offsets(%dma_start3A_413 : memref<26xi32, #tpu.memory_space<vmem>>) semaphore(%arg11 : memref<!tpu.dma_semaphore, #tpu.memory_space<semaphore_mem>>)
      %dma_start3A_417 = arith.constant 31 : i32
      %dma_start3A_418 = arith.constant 31 : i32
      %dma_start3A_419 = arith.constant 0 : i32
      %dma_start3A_420 = arith.constant 0 : i32
      %dma_start3A_421 = tpu.memref_slice %arg7[%dma_start3A_418, %dma_start3A_419, %dma_start3A_420] : memref<32x26x32xf32, #tpu.memory_space<vmem>> -> memref<1x26x32xf32, #tpu.memory_space<vmem>>
      %dma_start3A_422 = tpu.memref_squeeze %dma_start3A_421 : memref<1x26x32xf32, #tpu.memory_space<vmem>> -> memref<26x32xf32, #tpu.memory_space<vmem>>
      %dma_start3A_423 = arith.constant 0 : i32
      %dma_start3A_424 = tpu.memref_slice %arg5[%dma_start3A_417, %dma_start3A_423] : memref<32x26xi32, #tpu.memory_space<vmem>> -> memref<1x26xi32, #tpu.memory_space<vmem>>
      %dma_start3A_425 = tpu.memref_squeeze %dma_start3A_424 : memref<1x26xi32, #tpu.memory_space<vmem>> -> memref<26xi32, #tpu.memory_space<vmem>>
      %dma_start3A_426 = arith.constant 0 : i32
      %dma_start3A_427 = arith.constant 0 : i32
      %dma_start3A_428 = tpu.memref_slice %arg2[%dma_start3A_426, %dma_start3A_427] : memref<1000000x32xf32, #tpu.memory_space<hbm>> -> memref<1000000x32xf32, #tpu.memory_space<hbm>>
      tpu.enqueue_indirect_dma source(%dma_start3A_428 : memref<1000000x32xf32, #tpu.memory_space<hbm>>) target(%dma_start3A_422 : memref<26x32xf32, #tpu.memory_space<vmem>>) offsets(%dma_start3A_425 : memref<26xi32, #tpu.memory_space<vmem>>) semaphore(%arg11 : memref<!tpu.dma_semaphore, #tpu.memory_space<semaphore_mem>>)
      %dma_wait3A_429 = arith.constant 0 : i32
      %dma_wait3A_430 = arith.constant 0 : i32
      %dma_wait3A_431 = tpu.memref_slice %arg4[%mul3A_2, %dma_wait3A_429, %dma_wait3A_430] : memref<16384x26x32xf32, #tpu.memory_space<hbm>> -> memref<32x26x32xf32, #tpu.memory_space<hbm>>
      %dma_wait3A_432 = arith.constant 0 : i32
      %dma_wait3A_433 = arith.constant 0 : i32
      %dma_wait3A_434 = tpu.memref_slice %arg4[%mul3A_2, %dma_wait3A_432, %dma_wait3A_433] : memref<16384x26x32xf32, #tpu.memory_space<hbm>> -> memref<32x26x32xf32, #tpu.memory_space<hbm>>
      tpu.wait_dma2 semaphore(%arg11 : memref<!tpu.dma_semaphore, #tpu.memory_space<semaphore_mem>>) src(%dma_wait3A_434 : memref<32x26x32xf32, #tpu.memory_space<hbm>>) dst(%arg7 : memref<32x26x32xf32, #tpu.memory_space<vmem>>)
      %dma_start3A_435 = arith.constant 0 : i32
      %dma_start3A_436 = arith.constant 0 : i32
      %dma_start3A_437 = tpu.memref_slice %arg4[%add3A_38, %dma_start3A_435, %dma_start3A_436] : memref<16384x26x32xf32, #tpu.memory_space<hbm>> -> memref<32x26x32xf32, #tpu.memory_space<hbm>>
      %dma_start3A_438 = arith.constant 0 : i32
      %dma_start3A_439 = arith.constant 0 : i32
      %dma_start3A_440 = tpu.memref_slice %arg4[%add3A_38, %dma_start3A_438, %dma_start3A_439] : memref<16384x26x32xf32, #tpu.memory_space<hbm>> -> memref<32x26x32xf32, #tpu.memory_space<hbm>>
      tpu.enqueue_dma source(%arg7 : memref<32x26x32xf32, #tpu.memory_space<vmem>>) target(%dma_start3A_440 : memref<32x26x32xf32, #tpu.memory_space<hbm>>) target_semaphore(%arg13 : memref<!tpu.dma_semaphore, #tpu.memory_space<semaphore_mem>>)
      %lt3A = arith.constant 7 : i32
      %lt3A_441 = arith.cmpi slt, %add3A_31, %lt3A : i32
      %convert_element_type3A_442 = arith.extui %lt3A_441 : i1 to i32
      %cond3A_443 = arith.constant 0 : i32
      %cond3A_444 = arith.cmpi ne, %convert_element_type3A_442, %cond3A_443 : i32
      scf.if %cond3A_444 {
        %add3A_862 = arith.constant 2 : i32
        %add3A_863 = arith.addi %add3A_35, %add3A_862 : i32
        %mul3A_864 = arith.constant 32 : i32
        %mul3A_865 = arith.muli %add3A_863, %mul3A_864 : i32
        %add3A_866 = arith.addi %mul3A_2, %mul3A_865 : i32
        %dma_start3A_867 = arith.constant 0 : i32
        %dma_start3A_868 = tpu.memref_slice %arg3[%add3A_866, %dma_start3A_867] : memref<16384x26xi32, #tpu.memory_space<hbm>> -> memref<32x26xi32, #tpu.memory_space<hbm>>
        %dma_start3A_869 = arith.constant 0 : i32
        %dma_start3A_870 = tpu.memref_slice %arg3[%add3A_866, %dma_start3A_869] : memref<16384x26xi32, #tpu.memory_space<hbm>> -> memref<32x26xi32, #tpu.memory_space<hbm>>
        tpu.enqueue_dma source(%dma_start3A_870 : memref<32x26xi32, #tpu.memory_space<hbm>>) target(%arg5 : memref<32x26xi32, #tpu.memory_space<vmem>>) target_semaphore(%arg9 : memref<!tpu.dma_semaphore, #tpu.memory_space<semaphore_mem>>)
      } else {
      }
      %mul3A_445 = arith.constant 2 : i32
      %mul3A_446 = arith.muli %mul3A_445, %add3A_31 : i32
      %add3A_447 = arith.constant 1 : i32
      %add3A_448 = arith.addi %mul3A_446, %add3A_447 : i32
      %mul3A_449 = arith.constant 32 : i32
      %mul3A_450 = arith.muli %add3A_448, %mul3A_449 : i32
      %add3A_451 = arith.addi %mul3A_2, %mul3A_450 : i32
      %ge3A_452 = arith.constant 1 : i32
      %ge3A_453 = arith.cmpi sge, %add3A_31, %ge3A_452 : i32
      %convert_element_type3A_454 = arith.extui %ge3A_453 : i1 to i32
      %cond3A_455 = arith.constant 0 : i32
      %cond3A_456 = arith.cmpi ne, %convert_element_type3A_454, %cond3A_455 : i32
      scf.if %cond3A_456 {
        %dma_wait3A_862 = arith.constant 0 : i32
        %dma_wait3A_863 = arith.constant 0 : i32
        %dma_wait3A_864 = tpu.memref_slice %arg4[%mul3A_2, %dma_wait3A_862, %dma_wait3A_863] : memref<16384x26x32xf32, #tpu.memory_space<hbm>> -> memref<32x26x32xf32, #tpu.memory_space<hbm>>
        %dma_wait3A_865 = arith.constant 0 : i32
        %dma_wait3A_866 = arith.constant 0 : i32
        %dma_wait3A_867 = tpu.memref_slice %arg4[%mul3A_2, %dma_wait3A_865, %dma_wait3A_866] : memref<16384x26x32xf32, #tpu.memory_space<hbm>> -> memref<32x26x32xf32, #tpu.memory_space<hbm>>
        tpu.wait_dma2 semaphore(%arg14 : memref<!tpu.dma_semaphore, #tpu.memory_space<semaphore_mem>>) src(%dma_wait3A_867 : memref<32x26x32xf32, #tpu.memory_space<hbm>>) dst(%arg8 : memref<32x26x32xf32, #tpu.memory_space<vmem>>)
      } else {
      }
      %dma_wait3A_457 = arith.constant 0 : i32
      %dma_wait3A_458 = tpu.memref_slice %arg3[%mul3A_2, %dma_wait3A_457] : memref<16384x26xi32, #tpu.memory_space<hbm>> -> memref<32x26xi32, #tpu.memory_space<hbm>>
      %dma_wait3A_459 = arith.constant 0 : i32
      %dma_wait3A_460 = tpu.memref_slice %arg3[%mul3A_2, %dma_wait3A_459] : memref<16384x26xi32, #tpu.memory_space<hbm>> -> memref<32x26xi32, #tpu.memory_space<hbm>>
      tpu.wait_dma2 semaphore(%arg10 : memref<!tpu.dma_semaphore, #tpu.memory_space<semaphore_mem>>) src(%dma_wait3A_460 : memref<32x26xi32, #tpu.memory_space<hbm>>) dst(%arg6 : memref<32x26xi32, #tpu.memory_space<vmem>>)
      %dma_start3A_461 = arith.constant 0 : i32
      %dma_start3A_462 = arith.constant 0 : i32
      %dma_start3A_463 = arith.constant 0 : i32
      %dma_start3A_464 = arith.constant 0 : i32
      %dma_start3A_465 = tpu.memref_slice %arg8[%dma_start3A_462, %dma_start3A_463, %dma_start3A_464] : memref<32x26x32xf32, #tpu.memory_space<vmem>> -> memref<1x26x32xf32, #tpu.memory_space<vmem>>
      %dma_start3A_466 = tpu.memref_squeeze %dma_start3A_465 : memref<1x26x32xf32, #tpu.memory_space<vmem>> -> memref<26x32xf32, #tpu.memory_space<vmem>>
      %dma_start3A_467 = arith.constant 0 : i32
      %dma_start3A_468 = tpu.memref_slice %arg6[%dma_start3A_461, %dma_start3A_467] : memref<32x26xi32, #tpu.memory_space<vmem>> -> memref<1x26xi32, #tpu.memory_space<vmem>>
      %dma_start3A_469 = tpu.memref_squeeze %dma_start3A_468 : memref<1x26xi32, #tpu.memory_space<vmem>> -> memref<26xi32, #tpu.memory_space<vmem>>
      %dma_start3A_470 = arith.constant 0 : i32
      %dma_start3A_471 = arith.constant 0 : i32
      %dma_start3A_472 = tpu.memref_slice %arg2[%dma_start3A_470, %dma_start3A_471] : memref<1000000x32xf32, #tpu.memory_space<hbm>> -> memref<1000000x32xf32, #tpu.memory_space<hbm>>
      tpu.enqueue_indirect_dma source(%dma_start3A_472 : memref<1000000x32xf32, #tpu.memory_space<hbm>>) target(%dma_start3A_466 : memref<26x32xf32, #tpu.memory_space<vmem>>) offsets(%dma_start3A_469 : memref<26xi32, #tpu.memory_space<vmem>>) semaphore(%arg12 : memref<!tpu.dma_semaphore, #tpu.memory_space<semaphore_mem>>)
      %dma_start3A_473 = arith.constant 1 : i32
      %dma_start3A_474 = arith.constant 1 : i32
      %dma_start3A_475 = arith.constant 0 : i32
      %dma_start3A_476 = arith.constant 0 : i32
      %dma_start3A_477 = tpu.memref_slice %arg8[%dma_start3A_474, %dma_start3A_475, %dma_start3A_476] : memref<32x26x32xf32, #tpu.memory_space<vmem>> -> memref<1x26x32xf32, #tpu.memory_space<vmem>>
      %dma_start3A_478 = tpu.memref_squeeze %dma_start3A_477 : memref<1x26x32xf32, #tpu.memory_space<vmem>> -> memref<26x32xf32, #tpu.memory_space<vmem>>
      %dma_start3A_479 = arith.constant 0 : i32
      %dma_start3A_480 = tpu.memref_slice %arg6[%dma_start3A_473, %dma_start3A_479] : memref<32x26xi32, #tpu.memory_space<vmem>> -> memref<1x26xi32, #tpu.memory_space<vmem>>
      %dma_start3A_481 = tpu.memref_squeeze %dma_start3A_480 : memref<1x26xi32, #tpu.memory_space<vmem>> -> memref<26xi32, #tpu.memory_space<vmem>>
      %dma_start3A_482 = arith.constant 0 : i32
      %dma_start3A_483 = arith.constant 0 : i32
      %dma_start3A_484 = tpu.memref_slice %arg2[%dma_start3A_482, %dma_start3A_483] : memref<1000000x32xf32, #tpu.memory_space<hbm>> -> memref<1000000x32xf32, #tpu.memory_space<hbm>>
      tpu.enqueue_indirect_dma source(%dma_start3A_484 : memref<1000000x32xf32, #tpu.memory_space<hbm>>) target(%dma_start3A_478 : memref<26x32xf32, #tpu.memory_space<vmem>>) offsets(%dma_start3A_481 : memref<26xi32, #tpu.memory_space<vmem>>) semaphore(%arg12 : memref<!tpu.dma_semaphore, #tpu.memory_space<semaphore_mem>>)
      %dma_start3A_485 = arith.constant 2 : i32
      %dma_start3A_486 = arith.constant 2 : i32
      %dma_start3A_487 = arith.constant 0 : i32
      %dma_start3A_488 = arith.constant 0 : i32
      %dma_start3A_489 = tpu.memref_slice %arg8[%dma_start3A_486, %dma_start3A_487, %dma_start3A_488] : memref<32x26x32xf32, #tpu.memory_space<vmem>> -> memref<1x26x32xf32, #tpu.memory_space<vmem>>
      %dma_start3A_490 = tpu.memref_squeeze %dma_start3A_489 : memref<1x26x32xf32, #tpu.memory_space<vmem>> -> memref<26x32xf32, #tpu.memory_space<vmem>>
      %dma_start3A_491 = arith.constant 0 : i32
      %dma_start3A_492 = tpu.memref_slice %arg6[%dma_start3A_485, %dma_start3A_491] : memref<32x26xi32, #tpu.memory_space<vmem>> -> memref<1x26xi32, #tpu.memory_space<vmem>>
      %dma_start3A_493 = tpu.memref_squeeze %dma_start3A_492 : memref<1x26xi32, #tpu.memory_space<vmem>> -> memref<26xi32, #tpu.memory_space<vmem>>
      %dma_start3A_494 = arith.constant 0 : i32
      %dma_start3A_495 = arith.constant 0 : i32
      %dma_start3A_496 = tpu.memref_slice %arg2[%dma_start3A_494, %dma_start3A_495] : memref<1000000x32xf32, #tpu.memory_space<hbm>> -> memref<1000000x32xf32, #tpu.memory_space<hbm>>
      tpu.enqueue_indirect_dma source(%dma_start3A_496 : memref<1000000x32xf32, #tpu.memory_space<hbm>>) target(%dma_start3A_490 : memref<26x32xf32, #tpu.memory_space<vmem>>) offsets(%dma_start3A_493 : memref<26xi32, #tpu.memory_space<vmem>>) semaphore(%arg12 : memref<!tpu.dma_semaphore, #tpu.memory_space<semaphore_mem>>)
      %dma_start3A_497 = arith.constant 3 : i32
      %dma_start3A_498 = arith.constant 3 : i32
      %dma_start3A_499 = arith.constant 0 : i32
      %dma_start3A_500 = arith.constant 0 : i32
      %dma_start3A_501 = tpu.memref_slice %arg8[%dma_start3A_498, %dma_start3A_499, %dma_start3A_500] : memref<32x26x32xf32, #tpu.memory_space<vmem>> -> memref<1x26x32xf32, #tpu.memory_space<vmem>>
      %dma_start3A_502 = tpu.memref_squeeze %dma_start3A_501 : memref<1x26x32xf32, #tpu.memory_space<vmem>> -> memref<26x32xf32, #tpu.memory_space<vmem>>
      %dma_start3A_503 = arith.constant 0 : i32
      %dma_start3A_504 = tpu.memref_slice %arg6[%dma_start3A_497, %dma_start3A_503] : memref<32x26xi32, #tpu.memory_space<vmem>> -> memref<1x26xi32, #tpu.memory_space<vmem>>
      %dma_start3A_505 = tpu.memref_squeeze %dma_start3A_504 : memref<1x26xi32, #tpu.memory_space<vmem>> -> memref<26xi32, #tpu.memory_space<vmem>>
      %dma_start3A_506 = arith.constant 0 : i32
      %dma_start3A_507 = arith.constant 0 : i32
      %dma_start3A_508 = tpu.memref_slice %arg2[%dma_start3A_506, %dma_start3A_507] : memref<1000000x32xf32, #tpu.memory_space<hbm>> -> memref<1000000x32xf32, #tpu.memory_space<hbm>>
      tpu.enqueue_indirect_dma source(%dma_start3A_508 : memref<1000000x32xf32, #tpu.memory_space<hbm>>) target(%dma_start3A_502 : memref<26x32xf32, #tpu.memory_space<vmem>>) offsets(%dma_start3A_505 : memref<26xi32, #tpu.memory_space<vmem>>) semaphore(%arg12 : memref<!tpu.dma_semaphore, #tpu.memory_space<semaphore_mem>>)
      %dma_start3A_509 = arith.constant 4 : i32
      %dma_start3A_510 = arith.constant 4 : i32
      %dma_start3A_511 = arith.constant 0 : i32
      %dma_start3A_512 = arith.constant 0 : i32
      %dma_start3A_513 = tpu.memref_slice %arg8[%dma_start3A_510, %dma_start3A_511, %dma_start3A_512] : memref<32x26x32xf32, #tpu.memory_space<vmem>> -> memref<1x26x32xf32, #tpu.memory_space<vmem>>
      %dma_start3A_514 = tpu.memref_squeeze %dma_start3A_513 : memref<1x26x32xf32, #tpu.memory_space<vmem>> -> memref<26x32xf32, #tpu.memory_space<vmem>>
      %dma_start3A_515 = arith.constant 0 : i32
      %dma_start3A_516 = tpu.memref_slice %arg6[%dma_start3A_509, %dma_start3A_515] : memref<32x26xi32, #tpu.memory_space<vmem>> -> memref<1x26xi32, #tpu.memory_space<vmem>>
      %dma_start3A_517 = tpu.memref_squeeze %dma_start3A_516 : memref<1x26xi32, #tpu.memory_space<vmem>> -> memref<26xi32, #tpu.memory_space<vmem>>
      %dma_start3A_518 = arith.constant 0 : i32
      %dma_start3A_519 = arith.constant 0 : i32
      %dma_start3A_520 = tpu.memref_slice %arg2[%dma_start3A_518, %dma_start3A_519] : memref<1000000x32xf32, #tpu.memory_space<hbm>> -> memref<1000000x32xf32, #tpu.memory_space<hbm>>
      tpu.enqueue_indirect_dma source(%dma_start3A_520 : memref<1000000x32xf32, #tpu.memory_space<hbm>>) target(%dma_start3A_514 : memref<26x32xf32, #tpu.memory_space<vmem>>) offsets(%dma_start3A_517 : memref<26xi32, #tpu.memory_space<vmem>>) semaphore(%arg12 : memref<!tpu.dma_semaphore, #tpu.memory_space<semaphore_mem>>)
      %dma_start3A_521 = arith.constant 5 : i32
      %dma_start3A_522 = arith.constant 5 : i32
      %dma_start3A_523 = arith.constant 0 : i32
      %dma_start3A_524 = arith.constant 0 : i32
      %dma_start3A_525 = tpu.memref_slice %arg8[%dma_start3A_522, %dma_start3A_523, %dma_start3A_524] : memref<32x26x32xf32, #tpu.memory_space<vmem>> -> memref<1x26x32xf32, #tpu.memory_space<vmem>>
      %dma_start3A_526 = tpu.memref_squeeze %dma_start3A_525 : memref<1x26x32xf32, #tpu.memory_space<vmem>> -> memref<26x32xf32, #tpu.memory_space<vmem>>
      %dma_start3A_527 = arith.constant 0 : i32
      %dma_start3A_528 = tpu.memref_slice %arg6[%dma_start3A_521, %dma_start3A_527] : memref<32x26xi32, #tpu.memory_space<vmem>> -> memref<1x26xi32, #tpu.memory_space<vmem>>
      %dma_start3A_529 = tpu.memref_squeeze %dma_start3A_528 : memref<1x26xi32, #tpu.memory_space<vmem>> -> memref<26xi32, #tpu.memory_space<vmem>>
      %dma_start3A_530 = arith.constant 0 : i32
      %dma_start3A_531 = arith.constant 0 : i32
      %dma_start3A_532 = tpu.memref_slice %arg2[%dma_start3A_530, %dma_start3A_531] : memref<1000000x32xf32, #tpu.memory_space<hbm>> -> memref<1000000x32xf32, #tpu.memory_space<hbm>>
      tpu.enqueue_indirect_dma source(%dma_start3A_532 : memref<1000000x32xf32, #tpu.memory_space<hbm>>) target(%dma_start3A_526 : memref<26x32xf32, #tpu.memory_space<vmem>>) offsets(%dma_start3A_529 : memref<26xi32, #tpu.memory_space<vmem>>) semaphore(%arg12 : memref<!tpu.dma_semaphore, #tpu.memory_space<semaphore_mem>>)
      %dma_start3A_533 = arith.constant 6 : i32
      %dma_start3A_534 = arith.constant 6 : i32
      %dma_start3A_535 = arith.constant 0 : i32
      %dma_start3A_536 = arith.constant 0 : i32
      %dma_start3A_537 = tpu.memref_slice %arg8[%dma_start3A_534, %dma_start3A_535, %dma_start3A_536] : memref<32x26x32xf32, #tpu.memory_space<vmem>> -> memref<1x26x32xf32, #tpu.memory_space<vmem>>
      %dma_start3A_538 = tpu.memref_squeeze %dma_start3A_537 : memref<1x26x32xf32, #tpu.memory_space<vmem>> -> memref<26x32xf32, #tpu.memory_space<vmem>>
      %dma_start3A_539 = arith.constant 0 : i32
      %dma_start3A_540 = tpu.memref_slice %arg6[%dma_start3A_533, %dma_start3A_539] : memref<32x26xi32, #tpu.memory_space<vmem>> -> memref<1x26xi32, #tpu.memory_space<vmem>>
      %dma_start3A_541 = tpu.memref_squeeze %dma_start3A_540 : memref<1x26xi32, #tpu.memory_space<vmem>> -> memref<26xi32, #tpu.memory_space<vmem>>
      %dma_start3A_542 = arith.constant 0 : i32
      %dma_start3A_543 = arith.constant 0 : i32
      %dma_start3A_544 = tpu.memref_slice %arg2[%dma_start3A_542, %dma_start3A_543] : memref<1000000x32xf32, #tpu.memory_space<hbm>> -> memref<1000000x32xf32, #tpu.memory_space<hbm>>
      tpu.enqueue_indirect_dma source(%dma_start3A_544 : memref<1000000x32xf32, #tpu.memory_space<hbm>>) target(%dma_start3A_538 : memref<26x32xf32, #tpu.memory_space<vmem>>) offsets(%dma_start3A_541 : memref<26xi32, #tpu.memory_space<vmem>>) semaphore(%arg12 : memref<!tpu.dma_semaphore, #tpu.memory_space<semaphore_mem>>)
      %dma_start3A_545 = arith.constant 7 : i32
      %dma_start3A_546 = arith.constant 7 : i32
      %dma_start3A_547 = arith.constant 0 : i32
      %dma_start3A_548 = arith.constant 0 : i32
      %dma_start3A_549 = tpu.memref_slice %arg8[%dma_start3A_546, %dma_start3A_547, %dma_start3A_548] : memref<32x26x32xf32, #tpu.memory_space<vmem>> -> memref<1x26x32xf32, #tpu.memory_space<vmem>>
      %dma_start3A_550 = tpu.memref_squeeze %dma_start3A_549 : memref<1x26x32xf32, #tpu.memory_space<vmem>> -> memref<26x32xf32, #tpu.memory_space<vmem>>
      %dma_start3A_551 = arith.constant 0 : i32
      %dma_start3A_552 = tpu.memref_slice %arg6[%dma_start3A_545, %dma_start3A_551] : memref<32x26xi32, #tpu.memory_space<vmem>> -> memref<1x26xi32, #tpu.memory_space<vmem>>
      %dma_start3A_553 = tpu.memref_squeeze %dma_start3A_552 : memref<1x26xi32, #tpu.memory_space<vmem>> -> memref<26xi32, #tpu.memory_space<vmem>>
      %dma_start3A_554 = arith.constant 0 : i32
      %dma_start3A_555 = arith.constant 0 : i32
      %dma_start3A_556 = tpu.memref_slice %arg2[%dma_start3A_554, %dma_start3A_555] : memref<1000000x32xf32, #tpu.memory_space<hbm>> -> memref<1000000x32xf32, #tpu.memory_space<hbm>>
      tpu.enqueue_indirect_dma source(%dma_start3A_556 : memref<1000000x32xf32, #tpu.memory_space<hbm>>) target(%dma_start3A_550 : memref<26x32xf32, #tpu.memory_space<vmem>>) offsets(%dma_start3A_553 : memref<26xi32, #tpu.memory_space<vmem>>) semaphore(%arg12 : memref<!tpu.dma_semaphore, #tpu.memory_space<semaphore_mem>>)
      %dma_start3A_557 = arith.constant 8 : i32
      %dma_start3A_558 = arith.constant 8 : i32
      %dma_start3A_559 = arith.constant 0 : i32
      %dma_start3A_560 = arith.constant 0 : i32
      %dma_start3A_561 = tpu.memref_slice %arg8[%dma_start3A_558, %dma_start3A_559, %dma_start3A_560] : memref<32x26x32xf32, #tpu.memory_space<vmem>> -> memref<1x26x32xf32, #tpu.memory_space<vmem>>
      %dma_start3A_562 = tpu.memref_squeeze %dma_start3A_561 : memref<1x26x32xf32, #tpu.memory_space<vmem>> -> memref<26x32xf32, #tpu.memory_space<vmem>>
      %dma_start3A_563 = arith.constant 0 : i32
      %dma_start3A_564 = tpu.memref_slice %arg6[%dma_start3A_557, %dma_start3A_563] : memref<32x26xi32, #tpu.memory_space<vmem>> -> memref<1x26xi32, #tpu.memory_space<vmem>>
      %dma_start3A_565 = tpu.memref_squeeze %dma_start3A_564 : memref<1x26xi32, #tpu.memory_space<vmem>> -> memref<26xi32, #tpu.memory_space<vmem>>
      %dma_start3A_566 = arith.constant 0 : i32
      %dma_start3A_567 = arith.constant 0 : i32
      %dma_start3A_568 = tpu.memref_slice %arg2[%dma_start3A_566, %dma_start3A_567] : memref<1000000x32xf32, #tpu.memory_space<hbm>> -> memref<1000000x32xf32, #tpu.memory_space<hbm>>
      tpu.enqueue_indirect_dma source(%dma_start3A_568 : memref<1000000x32xf32, #tpu.memory_space<hbm>>) target(%dma_start3A_562 : memref<26x32xf32, #tpu.memory_space<vmem>>) offsets(%dma_start3A_565 : memref<26xi32, #tpu.memory_space<vmem>>) semaphore(%arg12 : memref<!tpu.dma_semaphore, #tpu.memory_space<semaphore_mem>>)
      %dma_start3A_569 = arith.constant 9 : i32
      %dma_start3A_570 = arith.constant 9 : i32
      %dma_start3A_571 = arith.constant 0 : i32
      %dma_start3A_572 = arith.constant 0 : i32
      %dma_start3A_573 = tpu.memref_slice %arg8[%dma_start3A_570, %dma_start3A_571, %dma_start3A_572] : memref<32x26x32xf32, #tpu.memory_space<vmem>> -> memref<1x26x32xf32, #tpu.memory_space<vmem>>
      %dma_start3A_574 = tpu.memref_squeeze %dma_start3A_573 : memref<1x26x32xf32, #tpu.memory_space<vmem>> -> memref<26x32xf32, #tpu.memory_space<vmem>>
      %dma_start3A_575 = arith.constant 0 : i32
      %dma_start3A_576 = tpu.memref_slice %arg6[%dma_start3A_569, %dma_start3A_575] : memref<32x26xi32, #tpu.memory_space<vmem>> -> memref<1x26xi32, #tpu.memory_space<vmem>>
      %dma_start3A_577 = tpu.memref_squeeze %dma_start3A_576 : memref<1x26xi32, #tpu.memory_space<vmem>> -> memref<26xi32, #tpu.memory_space<vmem>>
      %dma_start3A_578 = arith.constant 0 : i32
      %dma_start3A_579 = arith.constant 0 : i32
      %dma_start3A_580 = tpu.memref_slice %arg2[%dma_start3A_578, %dma_start3A_579] : memref<1000000x32xf32, #tpu.memory_space<hbm>> -> memref<1000000x32xf32, #tpu.memory_space<hbm>>
      tpu.enqueue_indirect_dma source(%dma_start3A_580 : memref<1000000x32xf32, #tpu.memory_space<hbm>>) target(%dma_start3A_574 : memref<26x32xf32, #tpu.memory_space<vmem>>) offsets(%dma_start3A_577 : memref<26xi32, #tpu.memory_space<vmem>>) semaphore(%arg12 : memref<!tpu.dma_semaphore, #tpu.memory_space<semaphore_mem>>)
      %dma_start3A_581 = arith.constant 10 : i32
      %dma_start3A_582 = arith.constant 10 : i32
      %dma_start3A_583 = arith.constant 0 : i32
      %dma_start3A_584 = arith.constant 0 : i32
      %dma_start3A_585 = tpu.memref_slice %arg8[%dma_start3A_582, %dma_start3A_583, %dma_start3A_584] : memref<32x26x32xf32, #tpu.memory_space<vmem>> -> memref<1x26x32xf32, #tpu.memory_space<vmem>>
      %dma_start3A_586 = tpu.memref_squeeze %dma_start3A_585 : memref<1x26x32xf32, #tpu.memory_space<vmem>> -> memref<26x32xf32, #tpu.memory_space<vmem>>
      %dma_start3A_587 = arith.constant 0 : i32
      %dma_start3A_588 = tpu.memref_slice %arg6[%dma_start3A_581, %dma_start3A_587] : memref<32x26xi32, #tpu.memory_space<vmem>> -> memref<1x26xi32, #tpu.memory_space<vmem>>
      %dma_start3A_589 = tpu.memref_squeeze %dma_start3A_588 : memref<1x26xi32, #tpu.memory_space<vmem>> -> memref<26xi32, #tpu.memory_space<vmem>>
      %dma_start3A_590 = arith.constant 0 : i32
      %dma_start3A_591 = arith.constant 0 : i32
      %dma_start3A_592 = tpu.memref_slice %arg2[%dma_start3A_590, %dma_start3A_591] : memref<1000000x32xf32, #tpu.memory_space<hbm>> -> memref<1000000x32xf32, #tpu.memory_space<hbm>>
      tpu.enqueue_indirect_dma source(%dma_start3A_592 : memref<1000000x32xf32, #tpu.memory_space<hbm>>) target(%dma_start3A_586 : memref<26x32xf32, #tpu.memory_space<vmem>>) offsets(%dma_start3A_589 : memref<26xi32, #tpu.memory_space<vmem>>) semaphore(%arg12 : memref<!tpu.dma_semaphore, #tpu.memory_space<semaphore_mem>>)
      %dma_start3A_593 = arith.constant 11 : i32
      %dma_start3A_594 = arith.constant 11 : i32
      %dma_start3A_595 = arith.constant 0 : i32
      %dma_start3A_596 = arith.constant 0 : i32
      %dma_start3A_597 = tpu.memref_slice %arg8[%dma_start3A_594, %dma_start3A_595, %dma_start3A_596] : memref<32x26x32xf32, #tpu.memory_space<vmem>> -> memref<1x26x32xf32, #tpu.memory_space<vmem>>
      %dma_start3A_598 = tpu.memref_squeeze %dma_start3A_597 : memref<1x26x32xf32, #tpu.memory_space<vmem>> -> memref<26x32xf32, #tpu.memory_space<vmem>>
      %dma_start3A_599 = arith.constant 0 : i32
      %dma_start3A_600 = tpu.memref_slice %arg6[%dma_start3A_593, %dma_start3A_599] : memref<32x26xi32, #tpu.memory_space<vmem>> -> memref<1x26xi32, #tpu.memory_space<vmem>>
      %dma_start3A_601 = tpu.memref_squeeze %dma_start3A_600 : memref<1x26xi32, #tpu.memory_space<vmem>> -> memref<26xi32, #tpu.memory_space<vmem>>
      %dma_start3A_602 = arith.constant 0 : i32
      %dma_start3A_603 = arith.constant 0 : i32
      %dma_start3A_604 = tpu.memref_slice %arg2[%dma_start3A_602, %dma_start3A_603] : memref<1000000x32xf32, #tpu.memory_space<hbm>> -> memref<1000000x32xf32, #tpu.memory_space<hbm>>
      tpu.enqueue_indirect_dma source(%dma_start3A_604 : memref<1000000x32xf32, #tpu.memory_space<hbm>>) target(%dma_start3A_598 : memref<26x32xf32, #tpu.memory_space<vmem>>) offsets(%dma_start3A_601 : memref<26xi32, #tpu.memory_space<vmem>>) semaphore(%arg12 : memref<!tpu.dma_semaphore, #tpu.memory_space<semaphore_mem>>)
      %dma_start3A_605 = arith.constant 12 : i32
      %dma_start3A_606 = arith.constant 12 : i32
      %dma_start3A_607 = arith.constant 0 : i32
      %dma_start3A_608 = arith.constant 0 : i32
      %dma_start3A_609 = tpu.memref_slice %arg8[%dma_start3A_606, %dma_start3A_607, %dma_start3A_608] : memref<32x26x32xf32, #tpu.memory_space<vmem>> -> memref<1x26x32xf32, #tpu.memory_space<vmem>>
      %dma_start3A_610 = tpu.memref_squeeze %dma_start3A_609 : memref<1x26x32xf32, #tpu.memory_space<vmem>> -> memref<26x32xf32, #tpu.memory_space<vmem>>
      %dma_start3A_611 = arith.constant 0 : i32
      %dma_start3A_612 = tpu.memref_slice %arg6[%dma_start3A_605, %dma_start3A_611] : memref<32x26xi32, #tpu.memory_space<vmem>> -> memref<1x26xi32, #tpu.memory_space<vmem>>
      %dma_start3A_613 = tpu.memref_squeeze %dma_start3A_612 : memref<1x26xi32, #tpu.memory_space<vmem>> -> memref<26xi32, #tpu.memory_space<vmem>>
      %dma_start3A_614 = arith.constant 0 : i32
      %dma_start3A_615 = arith.constant 0 : i32
      %dma_start3A_616 = tpu.memref_slice %arg2[%dma_start3A_614, %dma_start3A_615] : memref<1000000x32xf32, #tpu.memory_space<hbm>> -> memref<1000000x32xf32, #tpu.memory_space<hbm>>
      tpu.enqueue_indirect_dma source(%dma_start3A_616 : memref<1000000x32xf32, #tpu.memory_space<hbm>>) target(%dma_start3A_610 : memref<26x32xf32, #tpu.memory_space<vmem>>) offsets(%dma_start3A_613 : memref<26xi32, #tpu.memory_space<vmem>>) semaphore(%arg12 : memref<!tpu.dma_semaphore, #tpu.memory_space<semaphore_mem>>)
      %dma_start3A_617 = arith.constant 13 : i32
      %dma_start3A_618 = arith.constant 13 : i32
      %dma_start3A_619 = arith.constant 0 : i32
      %dma_start3A_620 = arith.constant 0 : i32
      %dma_start3A_621 = tpu.memref_slice %arg8[%dma_start3A_618, %dma_start3A_619, %dma_start3A_620] : memref<32x26x32xf32, #tpu.memory_space<vmem>> -> memref<1x26x32xf32, #tpu.memory_space<vmem>>
      %dma_start3A_622 = tpu.memref_squeeze %dma_start3A_621 : memref<1x26x32xf32, #tpu.memory_space<vmem>> -> memref<26x32xf32, #tpu.memory_space<vmem>>
      %dma_start3A_623 = arith.constant 0 : i32
      %dma_start3A_624 = tpu.memref_slice %arg6[%dma_start3A_617, %dma_start3A_623] : memref<32x26xi32, #tpu.memory_space<vmem>> -> memref<1x26xi32, #tpu.memory_space<vmem>>
      %dma_start3A_625 = tpu.memref_squeeze %dma_start3A_624 : memref<1x26xi32, #tpu.memory_space<vmem>> -> memref<26xi32, #tpu.memory_space<vmem>>
      %dma_start3A_626 = arith.constant 0 : i32
      %dma_start3A_627 = arith.constant 0 : i32
      %dma_start3A_628 = tpu.memref_slice %arg2[%dma_start3A_626, %dma_start3A_627] : memref<1000000x32xf32, #tpu.memory_space<hbm>> -> memref<1000000x32xf32, #tpu.memory_space<hbm>>
      tpu.enqueue_indirect_dma source(%dma_start3A_628 : memref<1000000x32xf32, #tpu.memory_space<hbm>>) target(%dma_start3A_622 : memref<26x32xf32, #tpu.memory_space<vmem>>) offsets(%dma_start3A_625 : memref<26xi32, #tpu.memory_space<vmem>>) semaphore(%arg12 : memref<!tpu.dma_semaphore, #tpu.memory_space<semaphore_mem>>)
      %dma_start3A_629 = arith.constant 14 : i32
      %dma_start3A_630 = arith.constant 14 : i32
      %dma_start3A_631 = arith.constant 0 : i32
      %dma_start3A_632 = arith.constant 0 : i32
      %dma_start3A_633 = tpu.memref_slice %arg8[%dma_start3A_630, %dma_start3A_631, %dma_start3A_632] : memref<32x26x32xf32, #tpu.memory_space<vmem>> -> memref<1x26x32xf32, #tpu.memory_space<vmem>>
      %dma_start3A_634 = tpu.memref_squeeze %dma_start3A_633 : memref<1x26x32xf32, #tpu.memory_space<vmem>> -> memref<26x32xf32, #tpu.memory_space<vmem>>
      %dma_start3A_635 = arith.constant 0 : i32
      %dma_start3A_636 = tpu.memref_slice %arg6[%dma_start3A_629, %dma_start3A_635] : memref<32x26xi32, #tpu.memory_space<vmem>> -> memref<1x26xi32, #tpu.memory_space<vmem>>
      %dma_start3A_637 = tpu.memref_squeeze %dma_start3A_636 : memref<1x26xi32, #tpu.memory_space<vmem>> -> memref<26xi32, #tpu.memory_space<vmem>>
      %dma_start3A_638 = arith.constant 0 : i32
      %dma_start3A_639 = arith.constant 0 : i32
      %dma_start3A_640 = tpu.memref_slice %arg2[%dma_start3A_638, %dma_start3A_639] : memref<1000000x32xf32, #tpu.memory_space<hbm>> -> memref<1000000x32xf32, #tpu.memory_space<hbm>>
      tpu.enqueue_indirect_dma source(%dma_start3A_640 : memref<1000000x32xf32, #tpu.memory_space<hbm>>) target(%dma_start3A_634 : memref<26x32xf32, #tpu.memory_space<vmem>>) offsets(%dma_start3A_637 : memref<26xi32, #tpu.memory_space<vmem>>) semaphore(%arg12 : memref<!tpu.dma_semaphore, #tpu.memory_space<semaphore_mem>>)
      %dma_start3A_641 = arith.constant 15 : i32
      %dma_start3A_642 = arith.constant 15 : i32
      %dma_start3A_643 = arith.constant 0 : i32
      %dma_start3A_644 = arith.constant 0 : i32
      %dma_start3A_645 = tpu.memref_slice %arg8[%dma_start3A_642, %dma_start3A_643, %dma_start3A_644] : memref<32x26x32xf32, #tpu.memory_space<vmem>> -> memref<1x26x32xf32, #tpu.memory_space<vmem>>
      %dma_start3A_646 = tpu.memref_squeeze %dma_start3A_645 : memref<1x26x32xf32, #tpu.memory_space<vmem>> -> memref<26x32xf32, #tpu.memory_space<vmem>>
      %dma_start3A_647 = arith.constant 0 : i32
      %dma_start3A_648 = tpu.memref_slice %arg6[%dma_start3A_641, %dma_start3A_647] : memref<32x26xi32, #tpu.memory_space<vmem>> -> memref<1x26xi32, #tpu.memory_space<vmem>>
      %dma_start3A_649 = tpu.memref_squeeze %dma_start3A_648 : memref<1x26xi32, #tpu.memory_space<vmem>> -> memref<26xi32, #tpu.memory_space<vmem>>
      %dma_start3A_650 = arith.constant 0 : i32
      %dma_start3A_651 = arith.constant 0 : i32
      %dma_start3A_652 = tpu.memref_slice %arg2[%dma_start3A_650, %dma_start3A_651] : memref<1000000x32xf32, #tpu.memory_space<hbm>> -> memref<1000000x32xf32, #tpu.memory_space<hbm>>
      tpu.enqueue_indirect_dma source(%dma_start3A_652 : memref<1000000x32xf32, #tpu.memory_space<hbm>>) target(%dma_start3A_646 : memref<26x32xf32, #tpu.memory_space<vmem>>) offsets(%dma_start3A_649 : memref<26xi32, #tpu.memory_space<vmem>>) semaphore(%arg12 : memref<!tpu.dma_semaphore, #tpu.memory_space<semaphore_mem>>)
      %dma_start3A_653 = arith.constant 16 : i32
      %dma_start3A_654 = arith.constant 16 : i32
      %dma_start3A_655 = arith.constant 0 : i32
      %dma_start3A_656 = arith.constant 0 : i32
      %dma_start3A_657 = tpu.memref_slice %arg8[%dma_start3A_654, %dma_start3A_655, %dma_start3A_656] : memref<32x26x32xf32, #tpu.memory_space<vmem>> -> memref<1x26x32xf32, #tpu.memory_space<vmem>>
      %dma_start3A_658 = tpu.memref_squeeze %dma_start3A_657 : memref<1x26x32xf32, #tpu.memory_space<vmem>> -> memref<26x32xf32, #tpu.memory_space<vmem>>
      %dma_start3A_659 = arith.constant 0 : i32
      %dma_start3A_660 = tpu.memref_slice %arg6[%dma_start3A_653, %dma_start3A_659] : memref<32x26xi32, #tpu.memory_space<vmem>> -> memref<1x26xi32, #tpu.memory_space<vmem>>
      %dma_start3A_661 = tpu.memref_squeeze %dma_start3A_660 : memref<1x26xi32, #tpu.memory_space<vmem>> -> memref<26xi32, #tpu.memory_space<vmem>>
      %dma_start3A_662 = arith.constant 0 : i32
      %dma_start3A_663 = arith.constant 0 : i32
      %dma_start3A_664 = tpu.memref_slice %arg2[%dma_start3A_662, %dma_start3A_663] : memref<1000000x32xf32, #tpu.memory_space<hbm>> -> memref<1000000x32xf32, #tpu.memory_space<hbm>>
      tpu.enqueue_indirect_dma source(%dma_start3A_664 : memref<1000000x32xf32, #tpu.memory_space<hbm>>) target(%dma_start3A_658 : memref<26x32xf32, #tpu.memory_space<vmem>>) offsets(%dma_start3A_661 : memref<26xi32, #tpu.memory_space<vmem>>) semaphore(%arg12 : memref<!tpu.dma_semaphore, #tpu.memory_space<semaphore_mem>>)
      %dma_start3A_665 = arith.constant 17 : i32
      %dma_start3A_666 = arith.constant 17 : i32
      %dma_start3A_667 = arith.constant 0 : i32
      %dma_start3A_668 = arith.constant 0 : i32
      %dma_start3A_669 = tpu.memref_slice %arg8[%dma_start3A_666, %dma_start3A_667, %dma_start3A_668] : memref<32x26x32xf32, #tpu.memory_space<vmem>> -> memref<1x26x32xf32, #tpu.memory_space<vmem>>
      %dma_start3A_670 = tpu.memref_squeeze %dma_start3A_669 : memref<1x26x32xf32, #tpu.memory_space<vmem>> -> memref<26x32xf32, #tpu.memory_space<vmem>>
      %dma_start3A_671 = arith.constant 0 : i32
      %dma_start3A_672 = tpu.memref_slice %arg6[%dma_start3A_665, %dma_start3A_671] : memref<32x26xi32, #tpu.memory_space<vmem>> -> memref<1x26xi32, #tpu.memory_space<vmem>>
      %dma_start3A_673 = tpu.memref_squeeze %dma_start3A_672 : memref<1x26xi32, #tpu.memory_space<vmem>> -> memref<26xi32, #tpu.memory_space<vmem>>
      %dma_start3A_674 = arith.constant 0 : i32
      %dma_start3A_675 = arith.constant 0 : i32
      %dma_start3A_676 = tpu.memref_slice %arg2[%dma_start3A_674, %dma_start3A_675] : memref<1000000x32xf32, #tpu.memory_space<hbm>> -> memref<1000000x32xf32, #tpu.memory_space<hbm>>
      tpu.enqueue_indirect_dma source(%dma_start3A_676 : memref<1000000x32xf32, #tpu.memory_space<hbm>>) target(%dma_start3A_670 : memref<26x32xf32, #tpu.memory_space<vmem>>) offsets(%dma_start3A_673 : memref<26xi32, #tpu.memory_space<vmem>>) semaphore(%arg12 : memref<!tpu.dma_semaphore, #tpu.memory_space<semaphore_mem>>)
      %dma_start3A_677 = arith.constant 18 : i32
      %dma_start3A_678 = arith.constant 18 : i32
      %dma_start3A_679 = arith.constant 0 : i32
      %dma_start3A_680 = arith.constant 0 : i32
      %dma_start3A_681 = tpu.memref_slice %arg8[%dma_start3A_678, %dma_start3A_679, %dma_start3A_680] : memref<32x26x32xf32, #tpu.memory_space<vmem>> -> memref<1x26x32xf32, #tpu.memory_space<vmem>>
      %dma_start3A_682 = tpu.memref_squeeze %dma_start3A_681 : memref<1x26x32xf32, #tpu.memory_space<vmem>> -> memref<26x32xf32, #tpu.memory_space<vmem>>
      %dma_start3A_683 = arith.constant 0 : i32
      %dma_start3A_684 = tpu.memref_slice %arg6[%dma_start3A_677, %dma_start3A_683] : memref<32x26xi32, #tpu.memory_space<vmem>> -> memref<1x26xi32, #tpu.memory_space<vmem>>
      %dma_start3A_685 = tpu.memref_squeeze %dma_start3A_684 : memref<1x26xi32, #tpu.memory_space<vmem>> -> memref<26xi32, #tpu.memory_space<vmem>>
      %dma_start3A_686 = arith.constant 0 : i32
      %dma_start3A_687 = arith.constant 0 : i32
      %dma_start3A_688 = tpu.memref_slice %arg2[%dma_start3A_686, %dma_start3A_687] : memref<1000000x32xf32, #tpu.memory_space<hbm>> -> memref<1000000x32xf32, #tpu.memory_space<hbm>>
      tpu.enqueue_indirect_dma source(%dma_start3A_688 : memref<1000000x32xf32, #tpu.memory_space<hbm>>) target(%dma_start3A_682 : memref<26x32xf32, #tpu.memory_space<vmem>>) offsets(%dma_start3A_685 : memref<26xi32, #tpu.memory_space<vmem>>) semaphore(%arg12 : memref<!tpu.dma_semaphore, #tpu.memory_space<semaphore_mem>>)
      %dma_start3A_689 = arith.constant 19 : i32
      %dma_start3A_690 = arith.constant 19 : i32
      %dma_start3A_691 = arith.constant 0 : i32
      %dma_start3A_692 = arith.constant 0 : i32
      %dma_start3A_693 = tpu.memref_slice %arg8[%dma_start3A_690, %dma_start3A_691, %dma_start3A_692] : memref<32x26x32xf32, #tpu.memory_space<vmem>> -> memref<1x26x32xf32, #tpu.memory_space<vmem>>
      %dma_start3A_694 = tpu.memref_squeeze %dma_start3A_693 : memref<1x26x32xf32, #tpu.memory_space<vmem>> -> memref<26x32xf32, #tpu.memory_space<vmem>>
      %dma_start3A_695 = arith.constant 0 : i32
      %dma_start3A_696 = tpu.memref_slice %arg6[%dma_start3A_689, %dma_start3A_695] : memref<32x26xi32, #tpu.memory_space<vmem>> -> memref<1x26xi32, #tpu.memory_space<vmem>>
      %dma_start3A_697 = tpu.memref_squeeze %dma_start3A_696 : memref<1x26xi32, #tpu.memory_space<vmem>> -> memref<26xi32, #tpu.memory_space<vmem>>
      %dma_start3A_698 = arith.constant 0 : i32
      %dma_start3A_699 = arith.constant 0 : i32
      %dma_start3A_700 = tpu.memref_slice %arg2[%dma_start3A_698, %dma_start3A_699] : memref<1000000x32xf32, #tpu.memory_space<hbm>> -> memref<1000000x32xf32, #tpu.memory_space<hbm>>
      tpu.enqueue_indirect_dma source(%dma_start3A_700 : memref<1000000x32xf32, #tpu.memory_space<hbm>>) target(%dma_start3A_694 : memref<26x32xf32, #tpu.memory_space<vmem>>) offsets(%dma_start3A_697 : memref<26xi32, #tpu.memory_space<vmem>>) semaphore(%arg12 : memref<!tpu.dma_semaphore, #tpu.memory_space<semaphore_mem>>)
      %dma_start3A_701 = arith.constant 20 : i32
      %dma_start3A_702 = arith.constant 20 : i32
      %dma_start3A_703 = arith.constant 0 : i32
      %dma_start3A_704 = arith.constant 0 : i32
      %dma_start3A_705 = tpu.memref_slice %arg8[%dma_start3A_702, %dma_start3A_703, %dma_start3A_704] : memref<32x26x32xf32, #tpu.memory_space<vmem>> -> memref<1x26x32xf32, #tpu.memory_space<vmem>>
      %dma_start3A_706 = tpu.memref_squeeze %dma_start3A_705 : memref<1x26x32xf32, #tpu.memory_space<vmem>> -> memref<26x32xf32, #tpu.memory_space<vmem>>
      %dma_start3A_707 = arith.constant 0 : i32
      %dma_start3A_708 = tpu.memref_slice %arg6[%dma_start3A_701, %dma_start3A_707] : memref<32x26xi32, #tpu.memory_space<vmem>> -> memref<1x26xi32, #tpu.memory_space<vmem>>
      %dma_start3A_709 = tpu.memref_squeeze %dma_start3A_708 : memref<1x26xi32, #tpu.memory_space<vmem>> -> memref<26xi32, #tpu.memory_space<vmem>>
      %dma_start3A_710 = arith.constant 0 : i32
      %dma_start3A_711 = arith.constant 0 : i32
      %dma_start3A_712 = tpu.memref_slice %arg2[%dma_start3A_710, %dma_start3A_711] : memref<1000000x32xf32, #tpu.memory_space<hbm>> -> memref<1000000x32xf32, #tpu.memory_space<hbm>>
      tpu.enqueue_indirect_dma source(%dma_start3A_712 : memref<1000000x32xf32, #tpu.memory_space<hbm>>) target(%dma_start3A_706 : memref<26x32xf32, #tpu.memory_space<vmem>>) offsets(%dma_start3A_709 : memref<26xi32, #tpu.memory_space<vmem>>) semaphore(%arg12 : memref<!tpu.dma_semaphore, #tpu.memory_space<semaphore_mem>>)
      %dma_start3A_713 = arith.constant 21 : i32
      %dma_start3A_714 = arith.constant 21 : i32
      %dma_start3A_715 = arith.constant 0 : i32
      %dma_start3A_716 = arith.constant 0 : i32
      %dma_start3A_717 = tpu.memref_slice %arg8[%dma_start3A_714, %dma_start3A_715, %dma_start3A_716] : memref<32x26x32xf32, #tpu.memory_space<vmem>> -> memref<1x26x32xf32, #tpu.memory_space<vmem>>
      %dma_start3A_718 = tpu.memref_squeeze %dma_start3A_717 : memref<1x26x32xf32, #tpu.memory_space<vmem>> -> memref<26x32xf32, #tpu.memory_space<vmem>>
      %dma_start3A_719 = arith.constant 0 : i32
      %dma_start3A_720 = tpu.memref_slice %arg6[%dma_start3A_713, %dma_start3A_719] : memref<32x26xi32, #tpu.memory_space<vmem>> -> memref<1x26xi32, #tpu.memory_space<vmem>>
      %dma_start3A_721 = tpu.memref_squeeze %dma_start3A_720 : memref<1x26xi32, #tpu.memory_space<vmem>> -> memref<26xi32, #tpu.memory_space<vmem>>
      %dma_start3A_722 = arith.constant 0 : i32
      %dma_start3A_723 = arith.constant 0 : i32
      %dma_start3A_724 = tpu.memref_slice %arg2[%dma_start3A_722, %dma_start3A_723] : memref<1000000x32xf32, #tpu.memory_space<hbm>> -> memref<1000000x32xf32, #tpu.memory_space<hbm>>
      tpu.enqueue_indirect_dma source(%dma_start3A_724 : memref<1000000x32xf32, #tpu.memory_space<hbm>>) target(%dma_start3A_718 : memref<26x32xf32, #tpu.memory_space<vmem>>) offsets(%dma_start3A_721 : memref<26xi32, #tpu.memory_space<vmem>>) semaphore(%arg12 : memref<!tpu.dma_semaphore, #tpu.memory_space<semaphore_mem>>)
      %dma_start3A_725 = arith.constant 22 : i32
      %dma_start3A_726 = arith.constant 22 : i32
      %dma_start3A_727 = arith.constant 0 : i32
      %dma_start3A_728 = arith.constant 0 : i32
      %dma_start3A_729 = tpu.memref_slice %arg8[%dma_start3A_726, %dma_start3A_727, %dma_start3A_728] : memref<32x26x32xf32, #tpu.memory_space<vmem>> -> memref<1x26x32xf32, #tpu.memory_space<vmem>>
      %dma_start3A_730 = tpu.memref_squeeze %dma_start3A_729 : memref<1x26x32xf32, #tpu.memory_space<vmem>> -> memref<26x32xf32, #tpu.memory_space<vmem>>
      %dma_start3A_731 = arith.constant 0 : i32
      %dma_start3A_732 = tpu.memref_slice %arg6[%dma_start3A_725, %dma_start3A_731] : memref<32x26xi32, #tpu.memory_space<vmem>> -> memref<1x26xi32, #tpu.memory_space<vmem>>
      %dma_start3A_733 = tpu.memref_squeeze %dma_start3A_732 : memref<1x26xi32, #tpu.memory_space<vmem>> -> memref<26xi32, #tpu.memory_space<vmem>>
      %dma_start3A_734 = arith.constant 0 : i32
      %dma_start3A_735 = arith.constant 0 : i32
      %dma_start3A_736 = tpu.memref_slice %arg2[%dma_start3A_734, %dma_start3A_735] : memref<1000000x32xf32, #tpu.memory_space<hbm>> -> memref<1000000x32xf32, #tpu.memory_space<hbm>>
      tpu.enqueue_indirect_dma source(%dma_start3A_736 : memref<1000000x32xf32, #tpu.memory_space<hbm>>) target(%dma_start3A_730 : memref<26x32xf32, #tpu.memory_space<vmem>>) offsets(%dma_start3A_733 : memref<26xi32, #tpu.memory_space<vmem>>) semaphore(%arg12 : memref<!tpu.dma_semaphore, #tpu.memory_space<semaphore_mem>>)
      %dma_start3A_737 = arith.constant 23 : i32
      %dma_start3A_738 = arith.constant 23 : i32
      %dma_start3A_739 = arith.constant 0 : i32
      %dma_start3A_740 = arith.constant 0 : i32
      %dma_start3A_741 = tpu.memref_slice %arg8[%dma_start3A_738, %dma_start3A_739, %dma_start3A_740] : memref<32x26x32xf32, #tpu.memory_space<vmem>> -> memref<1x26x32xf32, #tpu.memory_space<vmem>>
      %dma_start3A_742 = tpu.memref_squeeze %dma_start3A_741 : memref<1x26x32xf32, #tpu.memory_space<vmem>> -> memref<26x32xf32, #tpu.memory_space<vmem>>
      %dma_start3A_743 = arith.constant 0 : i32
      %dma_start3A_744 = tpu.memref_slice %arg6[%dma_start3A_737, %dma_start3A_743] : memref<32x26xi32, #tpu.memory_space<vmem>> -> memref<1x26xi32, #tpu.memory_space<vmem>>
      %dma_start3A_745 = tpu.memref_squeeze %dma_start3A_744 : memref<1x26xi32, #tpu.memory_space<vmem>> -> memref<26xi32, #tpu.memory_space<vmem>>
      %dma_start3A_746 = arith.constant 0 : i32
      %dma_start3A_747 = arith.constant 0 : i32
      %dma_start3A_748 = tpu.memref_slice %arg2[%dma_start3A_746, %dma_start3A_747] : memref<1000000x32xf32, #tpu.memory_space<hbm>> -> memref<1000000x32xf32, #tpu.memory_space<hbm>>
      tpu.enqueue_indirect_dma source(%dma_start3A_748 : memref<1000000x32xf32, #tpu.memory_space<hbm>>) target(%dma_start3A_742 : memref<26x32xf32, #tpu.memory_space<vmem>>) offsets(%dma_start3A_745 : memref<26xi32, #tpu.memory_space<vmem>>) semaphore(%arg12 : memref<!tpu.dma_semaphore, #tpu.memory_space<semaphore_mem>>)
      %dma_start3A_749 = arith.constant 24 : i32
      %dma_start3A_750 = arith.constant 24 : i32
      %dma_start3A_751 = arith.constant 0 : i32
      %dma_start3A_752 = arith.constant 0 : i32
      %dma_start3A_753 = tpu.memref_slice %arg8[%dma_start3A_750, %dma_start3A_751, %dma_start3A_752] : memref<32x26x32xf32, #tpu.memory_space<vmem>> -> memref<1x26x32xf32, #tpu.memory_space<vmem>>
      %dma_start3A_754 = tpu.memref_squeeze %dma_start3A_753 : memref<1x26x32xf32, #tpu.memory_space<vmem>> -> memref<26x32xf32, #tpu.memory_space<vmem>>
      %dma_start3A_755 = arith.constant 0 : i32
      %dma_start3A_756 = tpu.memref_slice %arg6[%dma_start3A_749, %dma_start3A_755] : memref<32x26xi32, #tpu.memory_space<vmem>> -> memref<1x26xi32, #tpu.memory_space<vmem>>
      %dma_start3A_757 = tpu.memref_squeeze %dma_start3A_756 : memref<1x26xi32, #tpu.memory_space<vmem>> -> memref<26xi32, #tpu.memory_space<vmem>>
      %dma_start3A_758 = arith.constant 0 : i32
      %dma_start3A_759 = arith.constant 0 : i32
      %dma_start3A_760 = tpu.memref_slice %arg2[%dma_start3A_758, %dma_start3A_759] : memref<1000000x32xf32, #tpu.memory_space<hbm>> -> memref<1000000x32xf32, #tpu.memory_space<hbm>>
      tpu.enqueue_indirect_dma source(%dma_start3A_760 : memref<1000000x32xf32, #tpu.memory_space<hbm>>) target(%dma_start3A_754 : memref<26x32xf32, #tpu.memory_space<vmem>>) offsets(%dma_start3A_757 : memref<26xi32, #tpu.memory_space<vmem>>) semaphore(%arg12 : memref<!tpu.dma_semaphore, #tpu.memory_space<semaphore_mem>>)
      %dma_start3A_761 = arith.constant 25 : i32
      %dma_start3A_762 = arith.constant 25 : i32
      %dma_start3A_763 = arith.constant 0 : i32
      %dma_start3A_764 = arith.constant 0 : i32
      %dma_start3A_765 = tpu.memref_slice %arg8[%dma_start3A_762, %dma_start3A_763, %dma_start3A_764] : memref<32x26x32xf32, #tpu.memory_space<vmem>> -> memref<1x26x32xf32, #tpu.memory_space<vmem>>
      %dma_start3A_766 = tpu.memref_squeeze %dma_start3A_765 : memref<1x26x32xf32, #tpu.memory_space<vmem>> -> memref<26x32xf32, #tpu.memory_space<vmem>>
      %dma_start3A_767 = arith.constant 0 : i32
      %dma_start3A_768 = tpu.memref_slice %arg6[%dma_start3A_761, %dma_start3A_767] : memref<32x26xi32, #tpu.memory_space<vmem>> -> memref<1x26xi32, #tpu.memory_space<vmem>>
      %dma_start3A_769 = tpu.memref_squeeze %dma_start3A_768 : memref<1x26xi32, #tpu.memory_space<vmem>> -> memref<26xi32, #tpu.memory_space<vmem>>
      %dma_start3A_770 = arith.constant 0 : i32
      %dma_start3A_771 = arith.constant 0 : i32
      %dma_start3A_772 = tpu.memref_slice %arg2[%dma_start3A_770, %dma_start3A_771] : memref<1000000x32xf32, #tpu.memory_space<hbm>> -> memref<1000000x32xf32, #tpu.memory_space<hbm>>
      tpu.enqueue_indirect_dma source(%dma_start3A_772 : memref<1000000x32xf32, #tpu.memory_space<hbm>>) target(%dma_start3A_766 : memref<26x32xf32, #tpu.memory_space<vmem>>) offsets(%dma_start3A_769 : memref<26xi32, #tpu.memory_space<vmem>>) semaphore(%arg12 : memref<!tpu.dma_semaphore, #tpu.memory_space<semaphore_mem>>)
      %dma_start3A_773 = arith.constant 26 : i32
      %dma_start3A_774 = arith.constant 26 : i32
      %dma_start3A_775 = arith.constant 0 : i32
      %dma_start3A_776 = arith.constant 0 : i32
      %dma_start3A_777 = tpu.memref_slice %arg8[%dma_start3A_774, %dma_start3A_775, %dma_start3A_776] : memref<32x26x32xf32, #tpu.memory_space<vmem>> -> memref<1x26x32xf32, #tpu.memory_space<vmem>>
      %dma_start3A_778 = tpu.memref_squeeze %dma_start3A_777 : memref<1x26x32xf32, #tpu.memory_space<vmem>> -> memref<26x32xf32, #tpu.memory_space<vmem>>
      %dma_start3A_779 = arith.constant 0 : i32
      %dma_start3A_780 = tpu.memref_slice %arg6[%dma_start3A_773, %dma_start3A_779] : memref<32x26xi32, #tpu.memory_space<vmem>> -> memref<1x26xi32, #tpu.memory_space<vmem>>
      %dma_start3A_781 = tpu.memref_squeeze %dma_start3A_780 : memref<1x26xi32, #tpu.memory_space<vmem>> -> memref<26xi32, #tpu.memory_space<vmem>>
      %dma_start3A_782 = arith.constant 0 : i32
      %dma_start3A_783 = arith.constant 0 : i32
      %dma_start3A_784 = tpu.memref_slice %arg2[%dma_start3A_782, %dma_start3A_783] : memref<1000000x32xf32, #tpu.memory_space<hbm>> -> memref<1000000x32xf32, #tpu.memory_space<hbm>>
      tpu.enqueue_indirect_dma source(%dma_start3A_784 : memref<1000000x32xf32, #tpu.memory_space<hbm>>) target(%dma_start3A_778 : memref<26x32xf32, #tpu.memory_space<vmem>>) offsets(%dma_start3A_781 : memref<26xi32, #tpu.memory_space<vmem>>) semaphore(%arg12 : memref<!tpu.dma_semaphore, #tpu.memory_space<semaphore_mem>>)
      %dma_start3A_785 = arith.constant 27 : i32
      %dma_start3A_786 = arith.constant 27 : i32
      %dma_start3A_787 = arith.constant 0 : i32
      %dma_start3A_788 = arith.constant 0 : i32
      %dma_start3A_789 = tpu.memref_slice %arg8[%dma_start3A_786, %dma_start3A_787, %dma_start3A_788] : memref<32x26x32xf32, #tpu.memory_space<vmem>> -> memref<1x26x32xf32, #tpu.memory_space<vmem>>
      %dma_start3A_790 = tpu.memref_squeeze %dma_start3A_789 : memref<1x26x32xf32, #tpu.memory_space<vmem>> -> memref<26x32xf32, #tpu.memory_space<vmem>>
      %dma_start3A_791 = arith.constant 0 : i32
      %dma_start3A_792 = tpu.memref_slice %arg6[%dma_start3A_785, %dma_start3A_791] : memref<32x26xi32, #tpu.memory_space<vmem>> -> memref<1x26xi32, #tpu.memory_space<vmem>>
      %dma_start3A_793 = tpu.memref_squeeze %dma_start3A_792 : memref<1x26xi32, #tpu.memory_space<vmem>> -> memref<26xi32, #tpu.memory_space<vmem>>
      %dma_start3A_794 = arith.constant 0 : i32
      %dma_start3A_795 = arith.constant 0 : i32
      %dma_start3A_796 = tpu.memref_slice %arg2[%dma_start3A_794, %dma_start3A_795] : memref<1000000x32xf32, #tpu.memory_space<hbm>> -> memref<1000000x32xf32, #tpu.memory_space<hbm>>
      tpu.enqueue_indirect_dma source(%dma_start3A_796 : memref<1000000x32xf32, #tpu.memory_space<hbm>>) target(%dma_start3A_790 : memref<26x32xf32, #tpu.memory_space<vmem>>) offsets(%dma_start3A_793 : memref<26xi32, #tpu.memory_space<vmem>>) semaphore(%arg12 : memref<!tpu.dma_semaphore, #tpu.memory_space<semaphore_mem>>)
      %dma_start3A_797 = arith.constant 28 : i32
      %dma_start3A_798 = arith.constant 28 : i32
      %dma_start3A_799 = arith.constant 0 : i32
      %dma_start3A_800 = arith.constant 0 : i32
      %dma_start3A_801 = tpu.memref_slice %arg8[%dma_start3A_798, %dma_start3A_799, %dma_start3A_800] : memref<32x26x32xf32, #tpu.memory_space<vmem>> -> memref<1x26x32xf32, #tpu.memory_space<vmem>>
      %dma_start3A_802 = tpu.memref_squeeze %dma_start3A_801 : memref<1x26x32xf32, #tpu.memory_space<vmem>> -> memref<26x32xf32, #tpu.memory_space<vmem>>
      %dma_start3A_803 = arith.constant 0 : i32
      %dma_start3A_804 = tpu.memref_slice %arg6[%dma_start3A_797, %dma_start3A_803] : memref<32x26xi32, #tpu.memory_space<vmem>> -> memref<1x26xi32, #tpu.memory_space<vmem>>
      %dma_start3A_805 = tpu.memref_squeeze %dma_start3A_804 : memref<1x26xi32, #tpu.memory_space<vmem>> -> memref<26xi32, #tpu.memory_space<vmem>>
      %dma_start3A_806 = arith.constant 0 : i32
      %dma_start3A_807 = arith.constant 0 : i32
      %dma_start3A_808 = tpu.memref_slice %arg2[%dma_start3A_806, %dma_start3A_807] : memref<1000000x32xf32, #tpu.memory_space<hbm>> -> memref<1000000x32xf32, #tpu.memory_space<hbm>>
      tpu.enqueue_indirect_dma source(%dma_start3A_808 : memref<1000000x32xf32, #tpu.memory_space<hbm>>) target(%dma_start3A_802 : memref<26x32xf32, #tpu.memory_space<vmem>>) offsets(%dma_start3A_805 : memref<26xi32, #tpu.memory_space<vmem>>) semaphore(%arg12 : memref<!tpu.dma_semaphore, #tpu.memory_space<semaphore_mem>>)
      %dma_start3A_809 = arith.constant 29 : i32
      %dma_start3A_810 = arith.constant 29 : i32
      %dma_start3A_811 = arith.constant 0 : i32
      %dma_start3A_812 = arith.constant 0 : i32
      %dma_start3A_813 = tpu.memref_slice %arg8[%dma_start3A_810, %dma_start3A_811, %dma_start3A_812] : memref<32x26x32xf32, #tpu.memory_space<vmem>> -> memref<1x26x32xf32, #tpu.memory_space<vmem>>
      %dma_start3A_814 = tpu.memref_squeeze %dma_start3A_813 : memref<1x26x32xf32, #tpu.memory_space<vmem>> -> memref<26x32xf32, #tpu.memory_space<vmem>>
      %dma_start3A_815 = arith.constant 0 : i32
      %dma_start3A_816 = tpu.memref_slice %arg6[%dma_start3A_809, %dma_start3A_815] : memref<32x26xi32, #tpu.memory_space<vmem>> -> memref<1x26xi32, #tpu.memory_space<vmem>>
      %dma_start3A_817 = tpu.memref_squeeze %dma_start3A_816 : memref<1x26xi32, #tpu.memory_space<vmem>> -> memref<26xi32, #tpu.memory_space<vmem>>
      %dma_start3A_818 = arith.constant 0 : i32
      %dma_start3A_819 = arith.constant 0 : i32
      %dma_start3A_820 = tpu.memref_slice %arg2[%dma_start3A_818, %dma_start3A_819] : memref<1000000x32xf32, #tpu.memory_space<hbm>> -> memref<1000000x32xf32, #tpu.memory_space<hbm>>
      tpu.enqueue_indirect_dma source(%dma_start3A_820 : memref<1000000x32xf32, #tpu.memory_space<hbm>>) target(%dma_start3A_814 : memref<26x32xf32, #tpu.memory_space<vmem>>) offsets(%dma_start3A_817 : memref<26xi32, #tpu.memory_space<vmem>>) semaphore(%arg12 : memref<!tpu.dma_semaphore, #tpu.memory_space<semaphore_mem>>)
      %dma_start3A_821 = arith.constant 30 : i32
      %dma_start3A_822 = arith.constant 30 : i32
      %dma_start3A_823 = arith.constant 0 : i32
      %dma_start3A_824 = arith.constant 0 : i32
      %dma_start3A_825 = tpu.memref_slice %arg8[%dma_start3A_822, %dma_start3A_823, %dma_start3A_824] : memref<32x26x32xf32, #tpu.memory_space<vmem>> -> memref<1x26x32xf32, #tpu.memory_space<vmem>>
      %dma_start3A_826 = tpu.memref_squeeze %dma_start3A_825 : memref<1x26x32xf32, #tpu.memory_space<vmem>> -> memref<26x32xf32, #tpu.memory_space<vmem>>
      %dma_start3A_827 = arith.constant 0 : i32
      %dma_start3A_828 = tpu.memref_slice %arg6[%dma_start3A_821, %dma_start3A_827] : memref<32x26xi32, #tpu.memory_space<vmem>> -> memref<1x26xi32, #tpu.memory_space<vmem>>
      %dma_start3A_829 = tpu.memref_squeeze %dma_start3A_828 : memref<1x26xi32, #tpu.memory_space<vmem>> -> memref<26xi32, #tpu.memory_space<vmem>>
      %dma_start3A_830 = arith.constant 0 : i32
      %dma_start3A_831 = arith.constant 0 : i32
      %dma_start3A_832 = tpu.memref_slice %arg2[%dma_start3A_830, %dma_start3A_831] : memref<1000000x32xf32, #tpu.memory_space<hbm>> -> memref<1000000x32xf32, #tpu.memory_space<hbm>>
      tpu.enqueue_indirect_dma source(%dma_start3A_832 : memref<1000000x32xf32, #tpu.memory_space<hbm>>) target(%dma_start3A_826 : memref<26x32xf32, #tpu.memory_space<vmem>>) offsets(%dma_start3A_829 : memref<26xi32, #tpu.memory_space<vmem>>) semaphore(%arg12 : memref<!tpu.dma_semaphore, #tpu.memory_space<semaphore_mem>>)
      %dma_start3A_833 = arith.constant 31 : i32
      %dma_start3A_834 = arith.constant 31 : i32
      %dma_start3A_835 = arith.constant 0 : i32
      %dma_start3A_836 = arith.constant 0 : i32
      %dma_start3A_837 = tpu.memref_slice %arg8[%dma_start3A_834, %dma_start3A_835, %dma_start3A_836] : memref<32x26x32xf32, #tpu.memory_space<vmem>> -> memref<1x26x32xf32, #tpu.memory_space<vmem>>
      %dma_start3A_838 = tpu.memref_squeeze %dma_start3A_837 : memref<1x26x32xf32, #tpu.memory_space<vmem>> -> memref<26x32xf32, #tpu.memory_space<vmem>>
      %dma_start3A_839 = arith.constant 0 : i32
      %dma_start3A_840 = tpu.memref_slice %arg6[%dma_start3A_833, %dma_start3A_839] : memref<32x26xi32, #tpu.memory_space<vmem>> -> memref<1x26xi32, #tpu.memory_space<vmem>>
      %dma_start3A_841 = tpu.memref_squeeze %dma_start3A_840 : memref<1x26xi32, #tpu.memory_space<vmem>> -> memref<26xi32, #tpu.memory_space<vmem>>
      %dma_start3A_842 = arith.constant 0 : i32
      %dma_start3A_843 = arith.constant 0 : i32
      %dma_start3A_844 = tpu.memref_slice %arg2[%dma_start3A_842, %dma_start3A_843] : memref<1000000x32xf32, #tpu.memory_space<hbm>> -> memref<1000000x32xf32, #tpu.memory_space<hbm>>
      tpu.enqueue_indirect_dma source(%dma_start3A_844 : memref<1000000x32xf32, #tpu.memory_space<hbm>>) target(%dma_start3A_838 : memref<26x32xf32, #tpu.memory_space<vmem>>) offsets(%dma_start3A_841 : memref<26xi32, #tpu.memory_space<vmem>>) semaphore(%arg12 : memref<!tpu.dma_semaphore, #tpu.memory_space<semaphore_mem>>)
      %dma_wait3A_845 = arith.constant 0 : i32
      %dma_wait3A_846 = arith.constant 0 : i32
      %dma_wait3A_847 = tpu.memref_slice %arg4[%mul3A_2, %dma_wait3A_845, %dma_wait3A_846] : memref<16384x26x32xf32, #tpu.memory_space<hbm>> -> memref<32x26x32xf32, #tpu.memory_space<hbm>>
      %dma_wait3A_848 = arith.constant 0 : i32
      %dma_wait3A_849 = arith.constant 0 : i32
      %dma_wait3A_850 = tpu.memref_slice %arg4[%mul3A_2, %dma_wait3A_848, %dma_wait3A_849] : memref<16384x26x32xf32, #tpu.memory_space<hbm>> -> memref<32x26x32xf32, #tpu.memory_space<hbm>>
      tpu.wait_dma2 semaphore(%arg12 : memref<!tpu.dma_semaphore, #tpu.memory_space<semaphore_mem>>) src(%dma_wait3A_850 : memref<32x26x32xf32, #tpu.memory_space<hbm>>) dst(%arg8 : memref<32x26x32xf32, #tpu.memory_space<vmem>>)
      %dma_start3A_851 = arith.constant 0 : i32
      %dma_start3A_852 = arith.constant 0 : i32
      %dma_start3A_853 = tpu.memref_slice %arg4[%add3A_451, %dma_start3A_851, %dma_start3A_852] : memref<16384x26x32xf32, #tpu.memory_space<hbm>> -> memref<32x26x32xf32, #tpu.memory_space<hbm>>
      %dma_start3A_854 = arith.constant 0 : i32
      %dma_start3A_855 = arith.constant 0 : i32
      %dma_start3A_856 = tpu.memref_slice %arg4[%add3A_451, %dma_start3A_854, %dma_start3A_855] : memref<16384x26x32xf32, #tpu.memory_space<hbm>> -> memref<32x26x32xf32, #tpu.memory_space<hbm>>
      tpu.enqueue_dma source(%arg8 : memref<32x26x32xf32, #tpu.memory_space<vmem>>) target(%dma_start3A_856 : memref<32x26x32xf32, #tpu.memory_space<hbm>>) target_semaphore(%arg14 : memref<!tpu.dma_semaphore, #tpu.memory_space<semaphore_mem>>)
      %lt3A_857 = arith.constant 7 : i32
      %lt3A_858 = arith.cmpi slt, %add3A_31, %lt3A_857 : i32
      %convert_element_type3A_859 = arith.extui %lt3A_858 : i1 to i32
      %cond3A_860 = arith.constant 0 : i32
      %cond3A_861 = arith.cmpi ne, %convert_element_type3A_859, %cond3A_860 : i32
      scf.if %cond3A_861 {
        %add3A_862 = arith.constant 2 : i32
        %add3A_863 = arith.addi %add3A_448, %add3A_862 : i32
        %mul3A_864 = arith.constant 32 : i32
        %mul3A_865 = arith.muli %add3A_863, %mul3A_864 : i32
        %add3A_866 = arith.addi %mul3A_2, %mul3A_865 : i32
        %dma_start3A_867 = arith.constant 0 : i32
        %dma_start3A_868 = tpu.memref_slice %arg3[%add3A_866, %dma_start3A_867] : memref<16384x26xi32, #tpu.memory_space<hbm>> -> memref<32x26xi32, #tpu.memory_space<hbm>>
        %dma_start3A_869 = arith.constant 0 : i32
        %dma_start3A_870 = tpu.memref_slice %arg3[%add3A_866, %dma_start3A_869] : memref<16384x26xi32, #tpu.memory_space<hbm>> -> memref<32x26xi32, #tpu.memory_space<hbm>>
        tpu.enqueue_dma source(%dma_start3A_870 : memref<32x26xi32, #tpu.memory_space<hbm>>) target(%arg6 : memref<32x26xi32, #tpu.memory_space<vmem>>) target_semaphore(%arg10 : memref<!tpu.dma_semaphore, #tpu.memory_space<semaphore_mem>>)
      } else {
      }
    }
    %scan3A_15 = arith.constant 8 : i32
    %dma_wait3A = arith.constant 0 : i32
    %dma_wait3A_16 = arith.constant 0 : i32
    %dma_wait3A_17 = tpu.memref_slice %arg4[%mul3A_2, %dma_wait3A, %dma_wait3A_16] : memref<16384x26x32xf32, #tpu.memory_space<hbm>> -> memref<32x26x32xf32, #tpu.memory_space<hbm>>
    %dma_wait3A_18 = arith.constant 0 : i32
    %dma_wait3A_19 = arith.constant 0 : i32
    %dma_wait3A_20 = tpu.memref_slice %arg4[%mul3A_2, %dma_wait3A_18, %dma_wait3A_19] : memref<16384x26x32xf32, #tpu.memory_space<hbm>> -> memref<32x26x32xf32, #tpu.memory_space<hbm>>
    tpu.wait_dma2 semaphore(%arg13 : memref<!tpu.dma_semaphore, #tpu.memory_space<semaphore_mem>>) src(%dma_wait3A_20 : memref<32x26x32xf32, #tpu.memory_space<hbm>>) dst(%arg7 : memref<32x26x32xf32, #tpu.memory_space<vmem>>)
    %dma_wait3A_21 = arith.constant 0 : i32
    %dma_wait3A_22 = arith.constant 0 : i32
    %dma_wait3A_23 = tpu.memref_slice %arg4[%mul3A_2, %dma_wait3A_21, %dma_wait3A_22] : memref<16384x26x32xf32, #tpu.memory_space<hbm>> -> memref<32x26x32xf32, #tpu.memory_space<hbm>>
    %dma_wait3A_24 = arith.constant 0 : i32
    %dma_wait3A_25 = arith.constant 0 : i32
    %dma_wait3A_26 = tpu.memref_slice %arg4[%mul3A_2, %dma_wait3A_24, %dma_wait3A_25] : memref<16384x26x32xf32, #tpu.memory_space<hbm>> -> memref<32x26x32xf32, #tpu.memory_space<hbm>>
    tpu.wait_dma2 semaphore(%arg14 : memref<!tpu.dma_semaphore, #tpu.memory_space<semaphore_mem>>) src(%dma_wait3A_26 : memref<32x26x32xf32, #tpu.memory_space<hbm>>) dst(%arg8 : memref<32x26x32xf32, #tpu.memory_space<vmem>>)
    return
  }
}

</mosaic_0001>

<sc_bundles>
// kernel: kernel.3.cloned.1.call-start
scs
__scs_entry_jumppad:
0x0: {  	(pc) =	sbr.rel $0x88, $3  }
0x1: {  	(tag) =	ssettag $0x0;
	lr =	simm.s32 $0x1  }
0x2: {  	[smem:$0x3F9F] =	sst lr;
	_ =	strace $0xD0000000  }
0x3: {  	_ = 	snop  }
0x4: {  	_ = 	snop  }
0x5: {  	_ = 	snop  }
0x6: {  	_ = 	snop  }
0x7: {  	_ = 	snop  }
__scs_overlays_trampoline_lowered:
0x8: {  	[smem:$0x3FAE] =	sst s0  }
0x9: {  	[smem:$0x3FAF] =	sst s1  }
0xa: {  	[smem:$0x3FB0] =	sst s2  }
0xb: {  	[smem:$0x3FB1] =	sst s3  }
0xc: {  	[smem:$0x3FB2] =	sst s4  }
0xd: {  	[smem:$0x3FB3] =	sst s5  }
0xe: {  	[smem:$0x3FB4] =	sst s6  }
0xf: {  	[smem:$0x3FB5] =	sst s7  }
0x10: {  	[smem:$0x3FB6] =	sst s8  }
0x11: {  	[smem:$0x3FB7] =	sst s9;
	s0 =	simm.s32 @!p0 $0x0  }
0x12: {  	s1 =	sld [smem:$0x3F9D];
	s0 =	simm.s32 @p0 $0x1  }
0x13: {  	[smem:$0x3FB8] =	sst s0;
	s0 =	simm.s32 @!p1 $0x0  }
0x14: {  	s2 =	sld [smem:$0x3F9C];
	s0 =	simm.s32 @p1 $0x1  }
0x15: {  	[smem:$0x3FB9] =	sst s0;
	s0 =	simm.s32 @!p2 $0x0  }
0x16: {  	s3 =	sld [smem:$0x3FDB];
	s0 =	simm.s32 @p2 $0x1  }
0x17: {  	s4 =	simm.s32 $0x1BF5;
	[smem:$0x3FBB] =	sst s0  }
0x18: {  	s0 =	sld [smem:$0x3F9E];
	_ =	swait.ge [sflag:s4], $0x0  }
0x19: {  	s7 =	sld [smem:$0x3F9F]  }
0x1a: {  	s8 =	sadd.s32 $0xFFFFE003, lr  }
0x1b: {  	s9 =	sadd.s32 $0xFFFFFEF7, lr;
	s5 =	simm.s32 $0xFFFFFFFF;
	p2 =	slt.u32 s8, $0xFFFFF086  }
0x1c: {  	p1 =	slt.u32 s9, $0xF7A;
	s5 =	simm.s32 @!p2 $0x0  }
0x1d: {  	s5 =	simm.s32 @p1 $0x1;
	p0 =	seq.s32 s7, s2  }
0x1e: {  	s7 =	smul.u32 @!p0 $0xF7A, s2;
	p2 =	seq.s32 @!p0 s5, $0x0  }
0x1f: {  	s9 =	smul.u32 $0xF7A, s1;
	s8 =	simm.s32 @!p0 $0x1BF5;
	p2 =	por !p2, p0  }
0x20: {  	[sflag:s8] =	ssyncset.s32 @!p0 $0xFFFFF086;
	s6 =	sadd.s32 @!p0 s3, s7;
	s7 =	simm.s32 @!p0 $0x108  }
0x21: {  	s3 =	sadd.s32 s3, s9;
	s6 =	sadd.s32 @!p0 $0x88, s6;
	s7 =	simm.s32 @p2 $0x1082  }
0x22: {  	[simem:s7], [sflag:s8] =	dma.local @!p0 [hbm:s6], $0xF7A  }
0x23: {  	s9 =	sor.u32 $0xD0000000, s2;
	s6 =	simm.s32 $0x108;
	_ =	swait.ge @!p0 [sflag:s8], $0x0  }
0x24: {  	s3 =	sadd.s32 $0x88, s3;
	s6 =	simm.s32 @!p1 $0x1082;
	[sflag:s4] =	ssyncset.s32 $0xFFFFF086  }
0x25: {  	[simem:s6], [sflag:s4] =	dma.local [hbm:s3], $0xF7A  }
0x26: {  	[smem:$0x3F9F] =	sst s1;
	(tag) =	ssettag s2;
	_ =	strace s9  }
0x27: {  	s1 =	sld [smem:$0x3FAF]  }
0x28: {  	s2 =	sld [smem:$0x3FB0]  }
0x29: {  	s4 =	sld [smem:$0x3FB2]  }
0x2a: {  	p0 =	seq.s32 s5, $0x0;
	s5 =	sld [smem:$0x3FB3]  }
0x2b: {  	s6 =	sld [smem:$0x3FB4]  }
0x2c: {  	s7 =	sld [smem:$0x3FB5]  }
0x2d: {  	s3 =	simm.s32 $0x108;
	s8 =	sld [smem:$0x3FB6]  }
0x2e: {  	s3 =	simm.s32 @!p0 $0x1082;
	s9 =	sld [smem:$0x3FB7]  }
0x2f: {  	lr =	sadd.s32 s0, s3;
	s0 =	sld [smem:$0x3FAE]  }
0x30: {  	s3 =	sld [smem:$0x3FB1]  }
0x31: {  	[smem:$0x3FBA] =	sst s10  }
0x32: {  	s10 =	sld [smem:$0x3FB8];
	_ =	sdelay $0x3  }
0x33: {  	p0 =	seq.s32 s10, $0x1;
	s10 =	sld [smem:$0x3FBA];
	_ =	sdelay $0x3  }
0x34: {  	[smem:$0x3FBA] =	sst s10  }
0x35: {  	s10 =	sld [smem:$0x3FB9];
	_ =	sdelay $0x3  }
0x36: {  	p1 =	seq.s32 s10, $0x1;
	s10 =	sld [smem:$0x3FBA];
	_ =	sdelay $0x3  }
0x37: {  	[smem:$0x3FBA] =	sst s10  }
0x38: {  	s10 =	sld [smem:$0x3FBB]  }
0x39: {  	_ = 	snop;
	(pc) =	sbr.ind lr, $3  }
0x3a: {  	_ = 	snop  }
0x3b: {  	_ = 	snop  }
0x3c: {  	p2 =	seq.s32 s10, $0x1;
	s10 =	sld [smem:$0x3FBA]  }
0x3d: {  	_ =	shalt  }
0x3e: {  	_ =	shalt  }
0x3f: {  	_ =	shalt  }
0x40: {  	_ =	shalt  }
0x41: {  	_ =	shalt  }
0x42: {  	_ =	shalt  }
0x43: {  	_ =	shalt  }
0x44: {  	_ =	shalt  }
0x45: {  	_ =	shalt  }
0x46: {  	_ =	shalt  }
0x47: {  	_ =	shalt  }
0x48: {  	_ =	shalt  }
0x49: {  	_ =	shalt  }
0x4a: {  	_ =	shalt  }
0x4b: {  	_ =	shalt  }
0x4c: {  	_ =	shalt  }
0x4d: {  	_ =	shalt  }
0x4e: {  	_ =	shalt  }
0x4f: {  	_ =	shalt  }
0x50: {  	_ =	shalt  }
0x51: {  	_ =	shalt  }
0x52: {  	_ =	shalt  }
0x53: {  	_ =	shalt  }
0x54: {  	_ =	shalt  }
0x55: {  	_ =	shalt  }
0x56: {  	_ =	shalt  }
0x57: {  	_ =	shalt  }
0x58: {  	_ =	shalt  }
0x59: {  	_ =	shalt  }
0x5a: {  	_ =	shalt  }
0x5b: {  	_ =	shalt  }
0x5c: {  	_ =	shalt  }
0x5d: {  	_ =	shalt  }
0x5e: {  	_ =	shalt  }
0x5f: {  	_ =	shalt  }
0x60: {  	_ =	shalt  }
0x61: {  	_ =	shalt  }
0x62: {  	_ =	shalt  }
0x63: {  	_ =	shalt  }
0x64: {  	_ =	shalt  }
0x65: {  	_ =	shalt  }
0x66: {  	_ =	shalt  }
0x67: {  	_ =	shalt  }
0x68: {  	_ =	shalt  }
0x69: {  	_ =	shalt  }
0x6a: {  	_ =	shalt  }
0x6b: {  	_ =	shalt  }
0x6c: {  	_ =	shalt  }
0x6d: {  	_ =	shalt  }
0x6e: {  	_ =	shalt  }
0x6f: {  	_ =	shalt  }
0x70: {  	_ =	shalt  }
0x71: {  	_ =	shalt  }
0x72: {  	_ =	shalt  }
0x73: {  	_ =	shalt  }
0x74: {  	_ =	shalt  }
0x75: {  	_ =	shalt  }
0x76: {  	_ =	shalt  }
0x77: {  	_ =	shalt  }
0x78: {  	_ =	shalt  }
0x79: {  	_ =	shalt  }
0x7a: {  	_ =	shalt  }
0x7b: {  	_ =	shalt  }
0x7c: {  	_ =	shalt  }
0x7d: {  	_ =	shalt  }
0x7e: {  	_ =	shalt  }
0x7f: {  	_ =	shalt  }
0x80: {  	_ =	shalt  }
0x81: {  	_ =	shalt  }
0x82: {  	_ =	shalt  }
0x83: {  	_ =	shalt  }
0x84: {  	_ =	shalt  }
0x85: {  	_ =	shalt  }
0x86: {  	_ =	shalt  }
0x87: {  	_ =	shalt  }
.Lfunc_end0:
.L_simem_size_0:
called_computation.1_lowered:
.L_overlay_start_0:
0x88: {  	s2 =	sld [smem:$0x3FD9]  }
0x89: {  	s3 =	sld [smem:$0x3FFE];
	_ =	sdelay $0x1  }
0x8a: {  	s1 =	srdreg.scid  }
0x8b: {  	s0 =	sand.u32 $0x1, s1  }
0x8c: {  	s17 =	sshll.u32 s0, $0xA;
	s2 =	sadd.s32 s3, s2  }
0x8d: {  	s2 =	sadd.s32 s2, s17  }
0x8e: {  	[smem:$0x3FC6] =	sst s2  }
0x8f: {  	_ = 	snop  }
0x90: {  	s2 =	sld [smem:$0x3FD0];
	(tm) =	ssettm $0x1  }
0x91: {  	s18 =	sld [smem:$0x3FFB];
	_ =	sdelay $0x3  }
0x92: {  	_ =	strace s18  }
0x93: {  	s3 =	sld [smem:$0x3FFC];
	_ =	sdelay $0x3  }
0x94: {  	_ =	strace s3  }
0x95: {  	s3 =	sld [smem:$0x3FFD];
	_ =	sdelay $0x3  }
0x96: {  	_ =	strace s3  }
0x97: {  	_ =	strace $0x8FFFFFFF  }
0x98: {  	s19 =	sld [smem:$0x3FDB];
	_ =	sdelay $0x1  }
0x99: {  	s4 =	simm.s32 $_scs_section_size  }
0x9a: {  	s5 =	simm.s32 $_size__tile_overlayer_lowered;
	s6 =	simm.s32 $_tile_overlayer_lowered  }
0x9b: {  	s22 =	simm.s32 $0x1BFF;
	s21 =	sshll.u32 s6, $0x1;
	s3 =	sadd.s32 s4, s19  }
0x9c: {  	s7 =	simm.s32 $0x0;
	s20 =	sshll.u32 s5, $0x1;
	s5 =	sadd.s32 s21, s3  }
0x9d: {  	[timem:s7], [sflag:s22] =	dma.local [hbm:s5], s20  }
0x9e: {  	_ =	swait.ge [sflag:s22], s20  }
0x9f: {  	s4 =	ssub.s32 $0x0, s20;
	[sflag:s22] =	ssyncset.done $0x0  }
0xa0: {  	[sflag:s22] =	ssyncadd.s32 s4;
	_ =	sdelay $0x1  }
0xa1: {  	s23 =	simm.s32 $0x1B8B  }
0xa2: {  	_ =	swait.ge [sflag:s23], $0x1  }
0xa3: {  	[sflag:s23] =	ssyncset.done $0x0  }
0xa4: {  	s25 =	simm.s32 $0x1B8E;
	s24 =	sld [smem:$0x3FFE];
	[sflag:s23] =	ssyncadd.s32 $0xFFFFFFFF  }
0xa5: {  	s26 =	simm.s32 $execute0_lowered;
	[smem:$0x3FD2] =	sst s25  }
0xa6: {  	s5 =	sshll.u32 s26, $0x1;
	_ =	strace $0x80000046;
	[dreg:$0x1] =	wrdreg $0xFFFFFFFF  }
0xa7: {  	s28 =	simm.s32 $_size_execute0_lowered;
	s3 =	sadd.s32 s3, s5;
	[dreg:$0x0] =	wrdreg $0x0  }
0xa8: {  	s5 =	sshll.u32 s28, $0x1;
	[dreg:$0x2] =	wrdreg s3  }
0xa9: {  	[dreg:$0x3] =	wrdreg s5  }
0xaa: {  	[dreg:$0x4] =	wrdreg $0xC0  }
0xab: {  	_ =	task [dreg:s7], $0x5FFFF  }
0xac: {  	[dreg:$0x1] =	wrdreg $0xFFFFFFFF  }
0xad: {  	[dreg:$0x0] =	wrdreg $0x60  }
0xae: {  	[dreg:$0x2] =	wrdreg s24  }
0xaf: {  	[dreg:$0x3] =	wrdreg s2  }
0xb0: {  	[dreg:$0x4] =	wrdreg $0x9  }
0xb1: {  	_ =	task.clear_ibuf [dreg:s7], $0x5FFFF;
	_ =	strace $0x90000046  }
0xb2: {  	s29 =	simm.s32 $0x9;
	_ =	strace $0x80000048  }
0xb3: {  	_ =	swait.ge [sflag:s29], $0x1  }
0xb4: {  	[sflag:s29] =	ssyncadd.s32 $0xFFFFFFFF  }
0xb5: {  	_ =	strace $0x90000048  }
0xb6: {  	_ =	sfence  }
0xb7: {  	s30 =	sld [smem:$0x0];
	_ =	sdelay $0x2  }
0xb8: {  	s31 =	sshll.u32 s1, $0xD;
	s1 =	sshrl.u32 s1, $0x2  }
0xb9: {  	s3 =	sand.u32 $0x4000, s31;
	s1 =	sadd.s32 s1, s30  }
0xba: {  	s0 =	sor.u32 s3, s0;
	s1 =	sshll.u32 s1, $0x11  }
0xbb: {  	s0 =	sor.u32 s1, s0  }
0xbc: {  	s0 =	sadd.s32 $0x8F2B, s0  }
0xbd: {  	[sflag:s0] =	ssyncadd.remote.s32 $0x1  }
0xbe: {  	_ =	sfence.sel $0xFFFF  }
0xbf: {  	[dreg:$0x0] =	wrdreg $0xFFFFFFFF;
	(pc) =	sbr.abs _section_cstart, $3  }
0xc0: {  	[dreg:$0x1] =	wrdreg $0xFFFFFFFF  }
0xc1: {  	_ =	task.clear_ibuf [dreg:s7], $0x2FFFF;
	_ =	strace $0x9FFFFFFF  }
0xc2: {  	(tm) =	ssettm $0x7FFFFFFF  }
0xc3: {  	_ =	shalt  }
tec
execute0_lowered:
.L_overlay_start_1:
0x0: {  	(tag) =	ssettag $0x1  }
0x1: {  	s0 =	rddreg [dreg:$0x0]  }
0x2: {  	s10 =	rddreg [dreg:$0x1];
	s1 =	srdreg.scid  }
0x3: {  	s3 =	simm.s32 $0x0;
	s9 =	stileid.u32;
	s12 =	simm.s32 $0x400  }
0x4: {  	s13 =	simm.s32 $0x1;
	s14 =	simm.s32 $0x1A;
	s15 =	simm.s32 $0x800  }
0x5: {  	s18 =	simm.s32 $0xC140;
	s19 =	simm.s32 $0x740;
	s28 =	simm.s32 $0x7C0  }
0x6: {  	s29 =	simm.s32 $0xD180;
	s30 =	simm.s32 $0x7E0;
	s31 =	simm.s32 $0xD4C0  }
0x7: {  	s1 =	sand.u32 $0x1, s1;
	[smem:$0x7FF] =	sst s3;
	s2 =	sshll.u32 s9, $0xA  }
0x8: {  	s6 =	sadd.s32 $0xA00, s0;
	s23 =	smul.u32 $0x1A000, s9;
	s24 =	sshll.u32 s9, $0xC  }
0x9: {  	s4 =	sshll.u32 s1, $0x9;
	_ =	strace $0x80000047;
	s5 =	ssub.s32 $0x2, s1  }
0xa: {  	s25 =	smul.u32 $0xD000, s1;
	s1 =	sshll.u32 s1, $0xB;
	s2 =	sor.u32 s4, s2  }
0xb: {  	s7 =	sshrl.u32 s5, $0x1;
	s4 =	sadd.s32 $0xF42E00, s0;
	s8 =	sshll.u32 s2, $0x2  }
0xc: {  	s20 =	ssub.s32 s5, s7;
	s22 =	sor.u32 $0x1E0, s2;
	s2 =	sor.u32 $0x20, s2  }
0xd: {  	s7 =	simm.s32 $0x0;
	s21 =	sadd.s32 s6, s8;
	[dreg:$0x5] =	wrdreg s22  }
0xe: {  	s0 =	smax.u32 s20, $0x1;
	[dreg:$0x7] =	wrdreg s2;
	s8 =	simm.s32 $0x7000  }
0xf: {  	s20 =	simm.s32 $0xC480;
	s22 =	simm.s32 $0xC7C0;
	[dreg:$0x3] =	wrdreg s21  }
0x10: {  	s5 =	sadd.s32 $0x80, s21;
	[dreg:$0x6] =	wrdreg s0;
	s0 =	sadd.s32 s24, s6  }
.Ltmp0:
0x11: {  	s6 =	simm.s32 $0x2;
	s21 =	simm.s32 $0x760;
	(pc) =	sbr.rel .LBB2_1-.Ltmp0, $4  }
0x12: {  	s24 =	simm.s32 $0xCB00;
	[dreg:$0x4] =	wrdreg s5;
	s5 =	sadd.s32 s23, s10  }
0x13: {  	s10 =	sadd.s32 s1, s0;
	s1 =	simm.s32 $0x3;
	s23 =	simm.s32 $0x780  }
0x14: {  	s0 =	simm.s32 $0x4;
	s26 =	sadd.s32 s25, s5;
	s25 =	simm.s32 $0x7A0  }
0x15: {  	s5 =	simm.s32 $0x6;
	[dreg:$0x8] =	wrdreg s26;
	s26 =	simm.s32 $0xCE40  }
.LBB2_6:
0x16: {  	s2 =	simm.s32 $0x5  }
0x17: {  	_ =	swait.ge [sflag:s2], $0x6800  }
0x18: {  	[sflag:s2] =	ssyncset.done $0x0  }
0x19: {  	[sflag:s2] =	ssyncadd.s32 $0xFFFF9800  }
0x1a: {  	_ =	swait.ge [sflag:s5], $0x6800  }
0x1b: {  	s7 =	rddreg [dreg:$0x9]  }
0x1c: {  	s17 =	rddreg [dreg:$0x6];
	s7 =	sadd.s32 $0x1, s7  }
0x1d: {  	p0 =	sne.s32 s7, s17  }
.Ltmp1:
0x1e: {  	_ = 	snop;
	(pc) =	sbr.rel @!p0 .LBB2_7-.Ltmp1, $3  }
0x1f: {  	_ =	sdelay $0x1  }
0x20: {  	[sflag:s5] =	ssyncset.done $0x0  }
0x21: {  	[sflag:s5] =	ssyncadd.s32 $0xFFFF9800  }
.LBB2_1:
0x22: {  	[dreg:$0x9] =	wrdreg s7  }
0x23: {  	s2 =	rddreg [dreg:$0x3]  }
0x24: {  	s17 =	rddreg [dreg:$0x4]  }
0x25: {  	s9 =	rddreg [dreg:$0x8]  }
0x26: {  	[tilespmem:s3], [sflag:$0x1] =	stream.linear.gather [hbm4b:s2+s3], $0x400, $0x38;
	[tilespmem:$0xD800] =	vst v63  }
0x27: {  	s7 =	rddreg [dreg:$0x7];
	s2 =	simm.s32 $0x0  }
0x28: {  	[tilespmem:s12], [sflag:$0x2] =	stream.linear.gather [hbm4b:s17+s3], $0x400, $0x38;
	[tilespmem:$0xD800] =	vst v63  }
.LBB2_2:
0x29: {  	p0 =	seq.s32 s2, $0x0  }
0x2a: {  	s11 =	simm.s32 @!p0 $0x5  }
0x2b: {  	_ =	swait.ge @!p0 [sflag:s11], $0x6800  }
0x2c: {  	[sflag:s11] =	ssyncset.done @!p0 $0x0  }
0x2d: {  	[sflag:s11] =	ssyncadd.s32 @!p0 $0xFFFF9800  }
0x2e: {  	_ =	swait.ge [sflag:s13], $0x400  }
0x2f: {  	[sflag:s13] =	ssyncset.done $0x0  }
0x30: {  	[sflag:s13] =	ssyncadd.s32 $0xFFFFFC00  }
0x31: {  	[tilespmem:s15], [sflag:$0x3] =	stream.indirect.gather [hbm4b:s4+s14], $0x20, s3, s14, $0xb8;
	[tilespmem:$0xD800] =	vst v63  }
0x32: {  	s17 =	simm.s32 $0x20;
	s16 =	simm.s32 $0xB40  }
0x33: {  	[tilespmem:s16], [sflag:$0x3] =	stream.indirect.gather [hbm4b:s4+s14], $0x20, s17, s14, $0xb8;
	[tilespmem:$0xD800] =	vst v63  }
0x34: {  	s16 =	simm.s32 $0x40;
	s17 =	simm.s32 $0xE80  }
0x35: {  	[tilespmem:s17], [sflag:$0x3] =	stream.indirect.gather [hbm4b:s4+s14], $0x20, s16, s14, $0xb8;
	[tilespmem:$0xD800] =	vst v63  }
0x36: {  	s16 =	simm.s32 $0x60;
	s17 =	simm.s32 $0x11C0  }
0x37: {  	[tilespmem:s17], [sflag:$0x3] =	stream.indirect.gather [hbm4b:s4+s14], $0x20, s16, s14, $0xb8;
	[tilespmem:$0xD800] =	vst v63  }
0x38: {  	s16 =	simm.s32 $0x80;
	s17 =	simm.s32 $0x1500  }
0x39: {  	[tilespmem:s17], [sflag:$0x3] =	stream.indirect.gather [hbm4b:s4+s14], $0x20, s16, s14, $0xb8;
	[tilespmem:$0xD800] =	vst v63  }
0x3a: {  	s16 =	simm.s32 $0xA0;
	s17 =	simm.s32 $0x1840  }
0x3b: {  	[tilespmem:s17], [sflag:$0x3] =	stream.indirect.gather [hbm4b:s4+s14], $0x20, s16, s14, $0xb8;
	[tilespmem:$0xD800] =	vst v63  }
0x3c: {  	s16 =	simm.s32 $0xC0;
	s17 =	simm.s32 $0x1B80  }
0x3d: {  	[tilespmem:s17], [sflag:$0x3] =	stream.indirect.gather [hbm4b:s4+s14], $0x20, s16, s14, $0xb8;
	[tilespmem:$0xD800] =	vst v63  }
0x3e: {  	s16 =	simm.s32 $0xE0;
	s17 =	simm.s32 $0x1EC0  }
0x3f: {  	[tilespmem:s17], [sflag:$0x3] =	stream.indirect.gather [hbm4b:s4+s14], $0x20, s16, s14, $0xb8;
	[tilespmem:$0xD800] =	vst v63  }
0x40: {  	s16 =	simm.s32 $0x100;
	s17 =	simm.s32 $0x2200  }
0x41: {  	[tilespmem:s17], [sflag:$0x3] =	stream.indirect.gather [hbm4b:s4+s14], $0x20, s16, s14, $0xb8;
	[tilespmem:$0xD800] =	vst v63  }
0x42: {  	s16 =	simm.s32 $0x120;
	s17 =	simm.s32 $0x2540  }
0x43: {  	[tilespmem:s17], [sflag:$0x3] =	stream.indirect.gather [hbm4b:s4+s14], $0x20, s16, s14, $0xb8;
	[tilespmem:$0xD800] =	vst v63  }
0x44: {  	s16 =	simm.s32 $0x140;
	s17 =	simm.s32 $0x2880  }
0x45: {  	[tilespmem:s17], [sflag:$0x3] =	stream.indirect.gather [hbm4b:s4+s14], $0x20, s16, s14, $0xb8;
	[tilespmem:$0xD800] =	vst v63  }
0x46: {  	s16 =	simm.s32 $0x160;
	s17 =	simm.s32 $0x2BC0  }
0x47: {  	[tilespmem:s17], [sflag:$0x3] =	stream.indirect.gather [hbm4b:s4+s14], $0x20, s16, s14, $0xb8;
	[tilespmem:$0xD800] =	vst v63  }
0x48: {  	s16 =	simm.s32 $0x180;
	s17 =	simm.s32 $0x2F00  }
0x49: {  	[tilespmem:s17], [sflag:$0x3] =	stream.indirect.gather [hbm4b:s4+s14], $0x20, s16, s14, $0xb8;
	[tilespmem:$0xD800] =	vst v63  }
0x4a: {  	s16 =	simm.s32 $0x1A0;
	s17 =	simm.s32 $0x3240  }
0x4b: {  	[tilespmem:s17], [sflag:$0x3] =	stream.indirect.gather [hbm4b:s4+s14], $0x20, s16, s14, $0xb8;
	[tilespmem:$0xD800] =	vst v63  }
0x4c: {  	s16 =	simm.s32 $0x1C0;
	s17 =	simm.s32 $0x3580  }
0x4d: {  	[tilespmem:s17], [sflag:$0x3] =	stream.indirect.gather [hbm4b:s4+s14], $0x20, s16, s14, $0xb8;
	[tilespmem:$0xD800] =	vst v63  }
0x4e: {  	s16 =	simm.s32 $0x1E0;
	s17 =	simm.s32 $0x38C0  }
0x4f: {  	[tilespmem:s17], [sflag:$0x3] =	stream.indirect.gather [hbm4b:s4+s14], $0x20, s16, s14, $0xb8;
	[tilespmem:$0xD800] =	vst v63  }
0x50: {  	s16 =	simm.s32 $0x200;
	s17 =	simm.s32 $0x3C00  }
0x51: {  	[tilespmem:s17], [sflag:$0x3] =	stream.indirect.gather [hbm4b:s4+s14], $0x20, s16, s14, $0xb8;
	[tilespmem:$0xD800] =	vst v63  }
0x52: {  	s16 =	simm.s32 $0x220;
	s17 =	simm.s32 $0x3F40  }
0x53: {  	[tilespmem:s17], [sflag:$0x3] =	stream.indirect.gather [hbm4b:s4+s14], $0x20, s16, s14, $0xb8;
	[tilespmem:$0xD800] =	vst v63  }
0x54: {  	s16 =	simm.s32 $0x240;
	s17 =	simm.s32 $0x4280  }
0x55: {  	[tilespmem:s17], [sflag:$0x3] =	stream.indirect.gather [hbm4b:s4+s14], $0x20, s16, s14, $0xb8;
	[tilespmem:$0xD800] =	vst v63  }
0x56: {  	s16 =	simm.s32 $0x260;
	s17 =	simm.s32 $0x45C0  }
0x57: {  	[tilespmem:s17], [sflag:$0x3] =	stream.indirect.gather [hbm4b:s4+s14], $0x20, s16, s14, $0xb8;
	[tilespmem:$0xD800] =	vst v63  }
0x58: {  	s16 =	simm.s32 $0x280;
	s17 =	simm.s32 $0x4900  }
0x59: {  	[tilespmem:s17], [sflag:$0x3] =	stream.indirect.gather [hbm4b:s4+s14], $0x20, s16, s14, $0xb8;
	[tilespmem:$0xD800] =	vst v63  }
0x5a: {  	s16 =	simm.s32 $0x2A0;
	s17 =	simm.s32 $0x4C40  }
0x5b: {  	[tilespmem:s17], [sflag:$0x3] =	stream.indirect.gather [hbm4b:s4+s14], $0x20, s16, s14, $0xb8;
	[tilespmem:$0xD800] =	vst v63  }
0x5c: {  	s16 =	simm.s32 $0x2C0;
	s17 =	simm.s32 $0x4F80  }
0x5d: {  	[tilespmem:s17], [sflag:$0x3] =	stream.indirect.gather [hbm4b:s4+s14], $0x20, s16, s14, $0xb8;
	[tilespmem:$0xD800] =	vst v63  }
0x5e: {  	s16 =	simm.s32 $0x2E0;
	s17 =	simm.s32 $0x52C0  }
0x5f: {  	[tilespmem:s17], [sflag:$0x3] =	stream.indirect.gather [hbm4b:s4+s14], $0x20, s16, s14, $0xb8;
	[tilespmem:$0xD800] =	vst v63  }
0x60: {  	s16 =	simm.s32 $0x300;
	s17 =	simm.s32 $0x5600  }
0x61: {  	[tilespmem:s17], [sflag:$0x3] =	stream.indirect.gather [hbm4b:s4+s14], $0x20, s16, s14, $0xb8;
	[tilespmem:$0xD800] =	vst v63  }
0x62: {  	s16 =	simm.s32 $0x320;
	s17 =	simm.s32 $0x5940  }
0x63: {  	[tilespmem:s17], [sflag:$0x3] =	stream.indirect.gather [hbm4b:s4+s14], $0x20, s16, s14, $0xb8;
	[tilespmem:$0xD800] =	vst v63  }
0x64: {  	s16 =	simm.s32 $0x340;
	s17 =	simm.s32 $0x5C80  }
0x65: {  	[tilespmem:s17], [sflag:$0x3] =	stream.indirect.gather [hbm4b:s4+s14], $0x20, s16, s14, $0xb8;
	[tilespmem:$0xD800] =	vst v63  }
0x66: {  	s16 =	simm.s32 $0x360;
	s17 =	simm.s32 $0x5FC0  }
0x67: {  	[tilespmem:s17], [sflag:$0x3] =	stream.indirect.gather [hbm4b:s4+s14], $0x20, s16, s14, $0xb8;
	[tilespmem:$0xD800] =	vst v63  }
0x68: {  	s16 =	simm.s32 $0x380;
	s17 =	simm.s32 $0x6300  }
0x69: {  	[tilespmem:s17], [sflag:$0x3] =	stream.indirect.gather [hbm4b:s4+s14], $0x20, s16, s14, $0xb8;
	[tilespmem:$0xD800] =	vst v63  }
0x6a: {  	s16 =	simm.s32 $0x3A0;
	s17 =	simm.s32 $0x6640  }
0x6b: {  	[tilespmem:s17], [sflag:$0x3] =	stream.indirect.gather [hbm4b:s4+s14], $0x20, s16, s14, $0xb8;
	[tilespmem:$0xD800] =	vst v63  }
0x6c: {  	s16 =	simm.s32 $0x3C0;
	s17 =	simm.s32 $0x6980  }
0x6d: {  	[tilespmem:s17], [sflag:$0x3] =	stream.indirect.gather [hbm4b:s4+s14], $0x20, s16, s14, $0xb8;
	[tilespmem:$0xD800] =	vst v63  }
0x6e: {  	p0 =	seq.s32 s2, $0x700;
	s16 =	simm.s32 $0x3E0;
	s17 =	simm.s32 $0x6CC0  }
0x6f: {  	[tilespmem:s17], [sflag:$0x3] =	stream.indirect.gather [hbm4b:s4+s14], $0x20, s16, s14, $0xb8;
	[tilespmem:$0xD800] =	vst v63  }
0x70: {  	p1 =	seq.s32 @!p0 s2, $0x0;
	_ =	swait.ge [sflag:s1], $0x6800  }
0x71: {  	p1 =	por p0, !p1;
	[sflag:s1] =	ssyncset.done $0x0  }
.Ltmp2:
0x72: {  	s11 =	sadd.s32 @!p0 s2, s10;
	[sflag:s1] =	ssyncadd.s32 $0xFFFF9800;
	(pc) =	sbr.rel @!p1 .LBB2_4-.Ltmp2, $4  }
0x73: {  	[hbm4b:s9+s3] =	stream.linear.scatter [tilespmem:s15], [sflag:$0x5], $0x6800, $0x38;
	[tilespmem:$0xD800] =	vst v63  }
0x74: {  	s11 =	sadd.s32 @!p0 $0x100, s11;
	s16 =	simm.s32 @!p0 $0x0  }
0x75: {  	[tilespmem:s16], [sflag:$0x1] =	stream.linear.gather @!p0 [hbm4b:s11+s16], $0x400, $0x38;
	[tilespmem:$0xD800] =	vst v63  }
0x76: {  	s11 =	smov.u32 s7  }
0x77: {  	_ =	swait.ge [sflag:s5], $0x6800  }
0x78: {  	s11 =	smov.u32 s7;
	[sflag:s5] =	ssyncset.done $0x0;
	s16 =	rddreg [dreg:$0x5]  }
0x79: {  	s11 =	smov.u32 @p0 s16;
	[sflag:s5] =	ssyncadd.s32 $0xFFFF9800  }
.LBB2_4:
0x7a: {  	_ =	swait.ge [sflag:s6], $0x400  }
0x7b: {  	[sflag:s6] =	ssyncset.done $0x0  }
0x7c: {  	[sflag:s6] =	ssyncadd.s32 $0xFFFFFC00  }
0x7d: {  	[tilespmem:s8], [sflag:$0x4] =	stream.indirect.gather [hbm4b:s4+s14], $0x20, s12, s14, $0xb8;
	[tilespmem:$0xD800] =	vst v63  }
0x7e: {  	s16 =	simm.s32 $0x420;
	s17 =	simm.s32 $0x7340  }
0x7f: {  	[tilespmem:s17], [sflag:$0x4] =	stream.indirect.gather [hbm4b:s4+s14], $0x20, s16, s14, $0xb8;
	[tilespmem:$0xD800] =	vst v63  }
0x80: {  	s16 =	simm.s32 $0x440;
	s17 =	simm.s32 $0x7680  }
0x81: {  	[tilespmem:s17], [sflag:$0x4] =	stream.indirect.gather [hbm4b:s4+s14], $0x20, s16, s14, $0xb8;
	[tilespmem:$0xD800] =	vst v63  }
0x82: {  	s16 =	simm.s32 $0x460;
	s17 =	simm.s32 $0x79C0  }
0x83: {  	[tilespmem:s17], [sflag:$0x4] =	stream.indirect.gather [hbm4b:s4+s14], $0x20, s16, s14, $0xb8;
	[tilespmem:$0xD800] =	vst v63  }
0x84: {  	s16 =	simm.s32 $0x480;
	s17 =	simm.s32 $0x7D00  }
0x85: {  	[tilespmem:s17], [sflag:$0x4] =	stream.indirect.gather [hbm4b:s4+s14], $0x20, s16, s14, $0xb8;
	[tilespmem:$0xD800] =	vst v63  }
0x86: {  	s16 =	simm.s32 $0x4A0;
	s17 =	simm.s32 $0x8040  }
0x87: {  	[tilespmem:s17], [sflag:$0x4] =	stream.indirect.gather [hbm4b:s4+s14], $0x20, s16, s14, $0xb8;
	[tilespmem:$0xD800] =	vst v63  }
0x88: {  	s16 =	simm.s32 $0x4C0;
	s17 =	simm.s32 $0x8380  }
0x89: {  	[tilespmem:s17], [sflag:$0x4] =	stream.indirect.gather [hbm4b:s4+s14], $0x20, s16, s14, $0xb8;
	[tilespmem:$0xD800] =	vst v63  }
0x8a: {  	s16 =	simm.s32 $0x4E0;
	s17 =	simm.s32 $0x86C0  }
0x8b: {  	[tilespmem:s17], [sflag:$0x4] =	stream.indirect.gather [hbm4b:s4+s14], $0x20, s16, s14, $0xb8;
	[tilespmem:$0xD800] =	vst v63  }
0x8c: {  	s16 =	simm.s32 $0x500;
	s17 =	simm.s32 $0x8A00  }
0x8d: {  	[tilespmem:s17], [sflag:$0x4] =	stream.indirect.gather [hbm4b:s4+s14], $0x20, s16, s14, $0xb8;
	[tilespmem:$0xD800] =	vst v63  }
0x8e: {  	s16 =	simm.s32 $0x520;
	s17 =	simm.s32 $0x8D40  }
0x8f: {  	[tilespmem:s17], [sflag:$0x4] =	stream.indirect.gather [hbm4b:s4+s14], $0x20, s16, s14, $0xb8;
	[tilespmem:$0xD800] =	vst v63  }
0x90: {  	s16 =	simm.s32 $0x540;
	s17 =	simm.s32 $0x9080  }
0x91: {  	[tilespmem:s17], [sflag:$0x4] =	stream.indirect.gather [hbm4b:s4+s14], $0x20, s16, s14, $0xb8;
	[tilespmem:$0xD800] =	vst v63  }
0x92: {  	s16 =	simm.s32 $0x560;
	s17 =	simm.s32 $0x93C0  }
0x93: {  	[tilespmem:s17], [sflag:$0x4] =	stream.indirect.gather [hbm4b:s4+s14], $0x20, s16, s14, $0xb8;
	[tilespmem:$0xD800] =	vst v63  }
0x94: {  	s16 =	simm.s32 $0x580;
	s17 =	simm.s32 $0x9700  }
0x95: {  	[tilespmem:s17], [sflag:$0x4] =	stream.indirect.gather [hbm4b:s4+s14], $0x20, s16, s14, $0xb8;
	[tilespmem:$0xD800] =	vst v63  }
0x96: {  	s16 =	simm.s32 $0x5A0;
	s17 =	simm.s32 $0x9A40  }
0x97: {  	[tilespmem:s17], [sflag:$0x4] =	stream.indirect.gather [hbm4b:s4+s14], $0x20, s16, s14, $0xb8;
	[tilespmem:$0xD800] =	vst v63  }
0x98: {  	s16 =	simm.s32 $0x5C0;
	s17 =	simm.s32 $0x9D80  }
0x99: {  	[tilespmem:s17], [sflag:$0x4] =	stream.indirect.gather [hbm4b:s4+s14], $0x20, s16, s14, $0xb8;
	[tilespmem:$0xD800] =	vst v63  }
0x9a: {  	s16 =	simm.s32 $0x5E0;
	s17 =	simm.s32 $0xA0C0  }
0x9b: {  	[tilespmem:s17], [sflag:$0x4] =	stream.indirect.gather [hbm4b:s4+s14], $0x20, s16, s14, $0xb8;
	[tilespmem:$0xD800] =	vst v63  }
0x9c: {  	s16 =	simm.s32 $0x600;
	s17 =	simm.s32 $0xA400  }
0x9d: {  	[tilespmem:s17], [sflag:$0x4] =	stream.indirect.gather [hbm4b:s4+s14], $0x20, s16, s14, $0xb8;
	[tilespmem:$0xD800] =	vst v63  }
0x9e: {  	s16 =	simm.s32 $0x620;
	s17 =	simm.s32 $0xA740  }
0x9f: {  	[tilespmem:s17], [sflag:$0x4] =	stream.indirect.gather [hbm4b:s4+s14], $0x20, s16, s14, $0xb8;
	[tilespmem:$0xD800] =	vst v63  }
0xa0: {  	s16 =	simm.s32 $0x640;
	s17 =	simm.s32 $0xAA80  }
0xa1: {  	[tilespmem:s17], [sflag:$0x4] =	stream.indirect.gather [hbm4b:s4+s14], $0x20, s16, s14, $0xb8;
	[tilespmem:$0xD800] =	vst v63  }
0xa2: {  	s16 =	simm.s32 $0x660;
	s17 =	simm.s32 $0xADC0  }
0xa3: {  	[tilespmem:s17], [sflag:$0x4] =	stream.indirect.gather [hbm4b:s4+s14], $0x20, s16, s14, $0xb8;
	[tilespmem:$0xD800] =	vst v63  }
0xa4: {  	s16 =	simm.s32 $0x680;
	s17 =	simm.s32 $0xB100  }
0xa5: {  	[tilespmem:s17], [sflag:$0x4] =	stream.indirect.gather [hbm4b:s4+s14], $0x20, s16, s14, $0xb8;
	[tilespmem:$0xD800] =	vst v63  }
0xa6: {  	s16 =	simm.s32 $0x6A0;
	s17 =	simm.s32 $0xB440  }
0xa7: {  	[tilespmem:s17], [sflag:$0x4] =	stream.indirect.gather [hbm4b:s4+s14], $0x20, s16, s14, $0xb8;
	[tilespmem:$0xD800] =	vst v63  }
0xa8: {  	s16 =	simm.s32 $0x6C0;
	s17 =	simm.s32 $0xB780  }
0xa9: {  	[tilespmem:s17], [sflag:$0x4] =	stream.indirect.gather [hbm4b:s4+s14], $0x20, s16, s14, $0xb8;
	[tilespmem:$0xD800] =	vst v63  }
0xaa: {  	s16 =	simm.s32 $0x6E0;
	s17 =	simm.s32 $0xBAC0  }
0xab: {  	[tilespmem:s17], [sflag:$0x4] =	stream.indirect.gather [hbm4b:s4+s14], $0x20, s16, s14, $0xb8;
	[tilespmem:$0xD800] =	vst v63  }
0xac: {  	s16 =	simm.s32 $0x700;
	s17 =	simm.s32 $0xBE00  }
0xad: {  	[tilespmem:s17], [sflag:$0x4] =	stream.indirect.gather [hbm4b:s4+s14], $0x20, s16, s14, $0xb8;
	[tilespmem:$0xD800] =	vst v63  }
0xae: {  	s17 =	simm.s32 $0x720  }
0xaf: {  	[tilespmem:s18], [sflag:$0x4] =	stream.indirect.gather [hbm4b:s4+s14], $0x20, s17, s14, $0xb8;
	[tilespmem:$0xD800] =	vst v63  }
0xb0: {  	_ = 	snop  }
0xb1: {  	[tilespmem:s20], [sflag:$0x4] =	stream.indirect.gather [hbm4b:s4+s14], $0x20, s19, s14, $0xb8;
	[tilespmem:$0xD800] =	vst v63  }
0xb2: {  	_ = 	snop  }
0xb3: {  	[tilespmem:s22], [sflag:$0x4] =	stream.indirect.gather [hbm4b:s4+s14], $0x20, s21, s14, $0xb8;
	[tilespmem:$0xD800] =	vst v63  }
0xb4: {  	_ = 	snop  }
0xb5: {  	[tilespmem:s24], [sflag:$0x4] =	stream.indirect.gather [hbm4b:s4+s14], $0x20, s23, s14, $0xb8;
	[tilespmem:$0xD800] =	vst v63  }
0xb6: {  	_ = 	snop  }
0xb7: {  	[tilespmem:s26], [sflag:$0x4] =	stream.indirect.gather [hbm4b:s4+s14], $0x20, s25, s14, $0xb8;
	[tilespmem:$0xD800] =	vst v63  }
0xb8: {  	_ = 	snop  }
0xb9: {  	[tilespmem:s29], [sflag:$0x4] =	stream.indirect.gather [hbm4b:s4+s14], $0x20, s28, s14, $0xb8;
	[tilespmem:$0xD800] =	vst v63  }
0xba: {  	_ = 	snop  }
0xbb: {  	[tilespmem:s31], [sflag:$0x4] =	stream.indirect.gather [hbm4b:s4+s14], $0x20, s30, s14, $0xb8;
	[tilespmem:$0xD800] =	vst v63  }
0xbc: {  	_ =	swait.ge [sflag:s0], $0x6800  }
.Ltmp3:
0xbd: {  	[sflag:s0] =	ssyncset.done $0x0;
	(pc) =	sbr.rel @p0 .LBB2_6-.Ltmp3, $4  }
0xbe: {  	s11 =	smul.u32 $0x68, s11;
	[sflag:s0] =	ssyncadd.s32 $0xFFFF9800  }
0xbf: {  	s17 =	rddreg [dreg:$0x1]  }
0xc0: {  	s11 =	sadd.s32 s17, s11  }
0xc1: {  	[hbm4b:s11+s3] =	stream.linear.scatter [tilespmem:s8], [sflag:$0x6], $0x6800, $0x38;
	[tilespmem:$0xD800] =	vst v63  }
.Ltmp4:
0xc2: {  	(pc) =	sbr.rel .LBB2_2-.Ltmp4, $4  }
0xc3: {  	_ = 	snop  }
0xc4: {  	s11 =	sadd.s32 s2, s10;
	s2 =	sadd.s32 $0x100, s2  }
0xc5: {  	s7 =	sadd.s32 $0x40, s7;
	s9 =	sadd.s32 $0x1A00, s9;
	s11 =	sadd.s32 $0x180, s11  }
0xc6: {  	[tilespmem:s12], [sflag:$0x2] =	stream.linear.gather [hbm4b:s11+s3], $0x400, $0x38;
	[tilespmem:$0xD800] =	vst v63  }
.LBB2_7:
0xc7: {  	_ =	sfence.sel $0x180000  }
0xc8: {  	[bflag:$0x0] =	sbarrier.arrive $0xFFFF  }
0xc9: {  	_ =	strace $0x90000047  }
0xca: {  	s0 =	stileid.u32;
	[bflag:$0x2] =	sbarrier.arrive $0xFFFF  }
0xcb: {  	p0 =	sne.s32 s0, $0x0;
	s0 =	rddreg [dreg:$0x2]  }
0xcc: {  	s0 =	sadd.s32 @!p0 $0x100000, s0  }
0xcd: {  	[sflag:s0] =	ssyncadd.tile.s32 @!p0 $0x1;
	_ =	shalt  }
.Lfunc_end2:
_tile_overlayer_lowered:
.L_overlay_start_2:
0xce: {  	(tag) =	ssettag $0x2  }
0xcf: {  	s0 =	rddreg [dreg:$0x0];
	s2 =	stileid.u32  }
0xd0: {  	s1 =	rddreg [dreg:$0x1];
	p0 =	sne.s32 s2, $0x0  }
0xd1: {  	s3 =	rddreg [dreg:$0x2];
	[bflag:$0x3] =	sbarrier.arrive $0xFFFF;
	s2 =	simm.s32 @!p0 $0x1C07  }
0xd2: {  	[timem:s3], [sflag:s2] =	dma.local @!p0 [hbm:s0], s1  }
0xd3: {  	s0 =	simm.s32 @!p0 $0x7  }
0xd4: {  	_ =	swait.ge @!p0 [sflag:s0], s1  }
0xd5: {  	s1 =	ssub.s32 @!p0 $0x0, s1;
	[sflag:s0] =	ssyncset.done @!p0 $0x0  }
0xd6: {  	[sflag:s0] =	ssyncadd.s32 @!p0 s1  }
0xd7: {  	[bflag:$0x3] =	sbarrier.arrive $0xFFFF  }
0xd8: {  	_ =	shalt  }

// kernel: sparse-core-data-format-call.cloned.1.call-start
scs
called_computation_lowered:
.L_overlay_start_0:
0x0: {  	s2 =	sld [smem:$0x3FD9]  }
0x1: {  	s3 =	sld [smem:$0x3FFE];
	_ =	sdelay $0x1  }
0x2: {  	s1 =	srdreg.scid  }
0x3: {  	s0 =	sand.u32 $0x1, s1  }
0x4: {  	s18 =	sshll.u32 s0, $0xA;
	s2 =	sadd.s32 s3, s2  }
0x5: {  	s2 =	sadd.s32 s2, s18  }
0x6: {  	[smem:$0x3FC6] =	sst s2  }
0x7: {  	_ = 	snop  }
0x8: {  	s2 =	sld [smem:$0x3FD0];
	(tm) =	ssettm $0x1  }
0x9: {  	s19 =	sld [smem:$0x3FFB];
	_ =	sdelay $0x3  }
0xa: {  	_ =	strace s19  }
0xb: {  	s3 =	sld [smem:$0x3FFC];
	_ =	sdelay $0x3  }
0xc: {  	_ =	strace s3  }
0xd: {  	s3 =	sld [smem:$0x3FFD];
	_ =	sdelay $0x3  }
0xe: {  	_ =	strace s3  }
0xf: {  	_ =	strace $0x8FFFFFFF  }
0x10: {  	s20 =	sld [smem:$0x3FDB];
	_ =	sdelay $0x1  }
0x11: {  	s4 =	simm.s32 $_scs_section_size  }
0x12: {  	s5 =	simm.s32 $_size__tile_overlayer_lowered;
	s6 =	simm.s32 $_tile_overlayer_lowered  }
0x13: {  	s23 =	simm.s32 $0x1BFF;
	s22 =	sshll.u32 s6, $0x1;
	s3 =	sadd.s32 s4, s20  }
0x14: {  	s7 =	simm.s32 $0x0;
	s21 =	sshll.u32 s5, $0x1;
	s5 =	sadd.s32 s22, s3  }
0x15: {  	[timem:s7], [sflag:s23] =	dma.local [hbm:s5], s21  }
0x16: {  	_ =	swait.ge [sflag:s23], s21  }
0x17: {  	s4 =	ssub.s32 $0x0, s21;
	[sflag:s23] =	ssyncset.done $0x0  }
0x18: {  	[sflag:s23] =	ssyncadd.s32 s4;
	_ =	sdelay $0x1  }
0x19: {  	s24 =	simm.s32 $0x1B8B  }
0x1a: {  	_ =	swait.ge [sflag:s24], $0x1  }
0x1b: {  	[sflag:s24] =	ssyncset.done $0x0  }
0x1c: {  	s26 =	simm.s32 $0x1B8E;
	s25 =	sld [smem:$0x3FFE];
	[sflag:s24] =	ssyncadd.s32 $0xFFFFFFFF  }
0x1d: {  	s27 =	simm.s32 $execute0_lowered;
	[smem:$0x3FD2] =	sst s26  }
0x1e: {  	s5 =	sshll.u32 s27, $0x1;
	_ =	strace $0x80000049;
	[dreg:$0x1] =	wrdreg $0xFFFFFFFF  }
0x1f: {  	s28 =	simm.s32 $_size_execute0_lowered;
	s3 =	sadd.s32 s3, s5;
	[dreg:$0x0] =	wrdreg $0x0  }
0x20: {  	s5 =	sshll.u32 s28, $0x1;
	[dreg:$0x2] =	wrdreg s3  }
0x21: {  	[dreg:$0x3] =	wrdreg s5  }
0x22: {  	[dreg:$0x4] =	wrdreg $0xC0  }
0x23: {  	_ =	task [dreg:s7], $0x5FFFF  }
0x24: {  	[dreg:$0x1] =	wrdreg $0xFFFFFFFF  }
0x25: {  	[dreg:$0x0] =	wrdreg $0x60  }
0x26: {  	[dreg:$0x2] =	wrdreg s25  }
0x27: {  	[dreg:$0x3] =	wrdreg s2  }
0x28: {  	[dreg:$0x4] =	wrdreg $0x9  }
0x29: {  	_ =	task.clear_ibuf [dreg:s7], $0x5FFFF;
	_ =	strace $0x90000049  }
0x2a: {  	s29 =	simm.s32 $0x9;
	_ =	strace $0x8000004B  }
0x2b: {  	_ =	swait.ge [sflag:s29], $0x1  }
0x2c: {  	[sflag:s29] =	ssyncadd.s32 $0xFFFFFFFF  }
0x2d: {  	_ =	strace $0x9000004B  }
0x2e: {  	_ =	sfence  }
0x2f: {  	s30 =	sld [smem:$0x0];
	_ =	sdelay $0x2  }
0x30: {  	s31 =	sshll.u32 s1, $0xD;
	s1 =	sshrl.u32 s1, $0x2  }
0x31: {  	s3 =	sand.u32 $0x4000, s31;
	s1 =	sadd.s32 s1, s30  }
0x32: {  	s0 =	sor.u32 s3, s0;
	s1 =	sshll.u32 s1, $0x11  }
0x33: {  	s0 =	sor.u32 s1, s0  }
0x34: {  	s0 =	sadd.s32 $0x8F2B, s0  }
0x35: {  	[sflag:s0] =	ssyncadd.remote.s32 $0x1  }
0x36: {  	_ =	sfence.sel $0xFFFF  }
0x37: {  	[dreg:$0x0] =	wrdreg $0xFFFFFFFF;
	(pc) =	sbr.abs _section_cstart, $3  }
0x38: {  	[dreg:$0x1] =	wrdreg $0xFFFFFFFF  }
0x39: {  	_ =	task.clear_ibuf [dreg:s7], $0x2FFFF;
	_ =	strace $0x9FFFFFFF  }
0x3a: {  	(tm) =	ssettm $0x7FFFFFFF  }
0x3b: {  	_ =	shalt  }
tec
execute0_lowered:
.L_overlay_start_1:
0x0: {  	(tag) =	ssettag $0x1  }
0x1: {  	s0 =	srdreg.scid  }
0x2: {  	s1 =	sshll.u32 s0, $0x4  }
0x3: {  	s0 =	stileid.u32;
	s1 =	sand.u32 $0x10, s1  }
0x4: {  	s1 =	sor.u32 s0, s1  }
0x5: {  	s6 =	rddreg [dreg:$0x0];
	s4 =	simm.s32 $0x1;
	s2 =	sshll.u32 s1, $0x7  }
0x6: {  	s7 =	simm.s32 $0x2;
	s12 =	simm.s32 $0x0;
	s1 =	ssub.s32 $0x4000, s2  }
0x7: {  	s8 =	simm.s32 $0x20000;
	s13 =	simm.s32 $0x0;
	s3 =	sand.u32 $0xF80, s1  }
0x8: {  	s9 =	simm.s32 $0x0;
	s5 =	sshrl.u32 s1, $0xC;
	p0 =	sne.s32 s3, $0x0  }
.Ltmp0:
0x9: {  	s1 =	rddreg [dreg:$0x2];
	s4 =	simm.s32 @!p0 $0x0;
	(pc) =	sbr.rel .LBB1_1-.Ltmp0, $4  }
0xa: {  	s11 =	simm.s32 $0x0;
	s3 =	rddreg [dreg:$0x1];
	s5 =	sadd.s32 s4, s5  }
0xb: {  	_ =	strace $0x8000004A;
	s4 =	simm.s32 $0x1;
	s5 =	smul.u32 $0x1A, s5  }
0xc: {  	s6 =	sadd.s32 $0xA00, s6;
	s10 =	smov.u32 s2;
	[sflag:s4] =	ssyncpa.u1 $0x0  }
0xd: {  	p0 =	por $0x0, $0x0;
	[sflag:s7] =	ssyncpa.u1 $0x0;
	s7 =	sor.u32 $0x1, s5  }
.LBB1_4:
0xe: {  	s16 =	sshll.u32 s13, $0x3;
	s17 =	sand.u32 $0x78, s13  }
0xf: {  	s30 =	sand.u32 $0xF800, s13;
	s12 =	sshll.u32 s12, $0x10;
	s16 =	sand.u32 $0x3C00, s16  }
0x10: {  	s31 =	sand.u32 $0x7, s13;
	s16 =	sor.u32 s17, s16;
	s17 =	sadd.s32 s3, s30  }
0x11: {  	s13 =	sshll.u32 s31, $0x12;
	s16 =	sshrl.u32 s16, $0x3;
	s12 =	sadd.s32 s12, s17  }
0x12: {  	[tilespmem:s15+$0x0 ss:$0x81] =	vst.msk $0xffff, v0;
	s13 =	sor.u32 $0x400, s13;
	s12 =	sadd.s32 s16, s12  }
0x13: {  	[hbm4b:s12+s13] =	stream.strided.scatter [tilespmem:s14], [sflag:$0x2], $0x1000, s8, s13, $0x20;
	[tilespmem:$0x4040] =	vst v63  }
.LBB1_5:
0x14: {  	s14 =	sadd.s32 $0x1, s9  }
0x15: {  	s12 =	sadd.s32 $0x1000, s10;
	s16 =	smov.u32 s10;
	p2 =	sgt.s32 s14, $0x19  }
0x16: {  	s16 =	smov.u32 @p2 s12  }
0x17: {  	s14 =	simm.s32 @p2 $0x0;
	p2 =	sgt.s32 s16, $0x3FFF  }
0x18: {  	s16 =	smov.u32 @p2 s2;
	p2 =	sne.s32 s11, s7  }
.Ltmp1:
0x19: {  	p1 =	slt.u32 s11, $0x2;
	(pc) =	sbr.rel @!p2 .LBB1_6-.Ltmp1, $4  }
0x1a: {  	s15 =	simm.s32 @!p1 $0x2  }
0x1b: {  	s13 =	smov.u32 s10;
	p0 =	por !p0, !p0;
	_ =	swait.ge @!p1 [sflag:s15], $0x1000  }
0x1c: {  	s12 =	smov.u32 s9;
	[sflag:s15] =	ssyncset.done @!p1 $0x0;
	s9 =	smov.u32 s14  }
0x1d: {  	s11 =	sadd.s32 $0x1, s11;
	[sflag:s15] =	ssyncadd.s32 @!p1 $0xFFFFF000;
	s10 =	smov.u32 s16  }
.LBB1_1:
0x1e: {  	p1 =	sge.u32 s11, s5  }
0x1f: {  	s31 =	sadd.s32 $0xFFFFFFFF, s11;
	s14 =	sxor.u32 @!p1 $0xFFFFFFFF, s11  }
0x20: {  	s15 =	sshll.u32 @!p1 s10, $0x9;
	s16 =	sshll.u32 @!p1 s9, $0x4;
	s17 =	simm.s32 @!p1 $0x1000  }
0x21: {  	s14 =	sshll.u32 @!p1 s14, $0xC;
	s16 =	sand.u32 @!p1 $0x1F0, s16;
	s15 =	sadd.s32 @!p1 s6, s15  }
0x22: {  	s14 =	sand.u32 @!p1 $0x1000, s14;
	s15 =	sadd.s32 @!p1 s16, s15;
	s16 =	simm.s32 @!p1 $0x20  }
0x23: {  	[tilespmem:s14], [sflag:$0x1] =	stream.strided.gather @!p1 [hbm4b:s15+s16], $0x1000, s17, s16, $0x38;
	[tilespmem:$0x4040] =	vst v63  }
0x24: {  	p1 =	sge.u32 s31, s5  }
.Ltmp2:
0x25: {  	_ = 	snop;
	(pc) =	sbr.rel @p1 .LBB1_5-.Ltmp2, $1  }
0x26: {  	_ =	sdelay $0x3  }
0x27: {  	s14 =	simm.s32 $0x1  }
0x28: {  	_ =	swait.ge [sflag:s4], $0x1000;
	s14 =	simm.s32 @!p0 $0x0  }
0x29: {  	[sflag:s4] =	ssyncset.done $0x0;
	s15 =	sshll.u32 s14, $0xC  }
0x2a: {  	[sflag:s4] =	ssyncadd.s32 $0xFFFFF000;
	s18 =	sor.u32 $0x10, s15  }
0x2b: {  	s14 =	smul.u32 $0x4080, s14;
	v1 =	vld [tilespmem:s18+$0x0]  }
0x2c: {  	s30 =	sand.u32 $0x1, s11;
	v0 =	vld [tilespmem:s18+$0xFFFFFFF0]  }
0x2d: {  	s15 =	smul.u32 $0x4080, s30;
	s14 =	sshrl.u32 s14, $0x2  }
0x2e: {  	s16 =	sor.u32 $0x2000, s14  }
0x2f: {  	s31 =	sshrl.u32 s15, $0x2;
	s15 =	sadd.s32 $0x0, s16  }
0x30: {  	s17 =	simm.s32 $0x4;
	s18 =	sadd.s32 $0x20, s18;
	s14 =	sor.u32 $0x2000, s31;
	[tilespmem:s15+$0x810 ss:$0x81] =	vst.msk $0xffff, v1  }
.LBB1_3:
0x31: {  	v1 =	vld [tilespmem:s18+$0x0];
	p1 =	sne.s32 s17, $0x1FC;
	[tilespmem:s15+$0x0 ss:$0x81] =	vst.msk $0xffff, v0;
	s15 =	smov.u32 s17;
	s17 =	sadd.s32 $0x4, s17  }
.Ltmp3:
0x32: {  	v0 =	vld [tilespmem:s18+$0xFFFFFFF0];
	(pc) =	sbr.rel @p1 .LBB1_3-.Ltmp3, $4  }
0x33: {  	_ = 	snop  }
0x34: {  	s15 =	sshra.s32 s15, $0x2  }
0x35: {  	s15 =	sadd.s32 s15, s16  }
0x36: {  	s18 =	sadd.s32 $0x20, s18;
	[tilespmem:s15+$0x810 ss:$0x81] =	vst.msk $0xffff, v1  }
.Ltmp4:
0x37: {  	_ = 	snop;
	(pc) =	sbr.rel .LBB1_4-.Ltmp4, $1  }
0x38: {  	_ =	sdelay $0x3  }
.LBB1_6:
0x39: {  	_ =	sfence.sel $0x180000  }
0x3a: {  	s2 =	simm.s32 $0x1;
	[bflag:$0x0] =	sbarrier.arrive $0xFFFF  }
0x3b: {  	s31 =	simm.s32 $0x2;
	[sflag:s2] =	ssyncpa.u1 $0x1  }
0x3c: {  	[sflag:s31] =	ssyncpa.u1 $0x1  }
0x3d: {  	p0 =	sne.s32 s0, $0x0;
	_ =	strace $0x9000004A  }
0x3e: {  	s0 =	sadd.s32 @!p0 $0x100000, s1;
	[bflag:$0x2] =	sbarrier.arrive $0xFFFF  }
0x3f: {  	[sflag:s0] =	ssyncadd.tile.s32 @!p0 $0x1;
	_ =	shalt  }
.Lfunc_end1:
_tile_overlayer_lowered:
.L_overlay_start_2:
0x40: {  	(tag) =	ssettag $0x2  }
0x41: {  	s0 =	rddreg [dreg:$0x0];
	s2 =	stileid.u32  }
0x42: {  	s1 =	rddreg [dreg:$0x1];
	p0 =	sne.s32 s2, $0x0  }
0x43: {  	s3 =	rddreg [dreg:$0x2];
	[bflag:$0x3] =	sbarrier.arrive $0xFFFF;
	s2 =	simm.s32 @!p0 $0x1C01  }
0x44: {  	[timem:s3], [sflag:s2] =	dma.local @!p0 [hbm:s0], s1  }
0x45: {  	s0 =	simm.s32 @!p0 $0x1  }
0x46: {  	_ =	swait.ge @!p0 [sflag:s0], s1  }
0x47: {  	s1 =	ssub.s32 @!p0 $0x0, s1;
	[sflag:s0] =	ssyncset.done @!p0 $0x0  }
0x48: {  	[sflag:s0] =	ssyncadd.s32 @!p0 s1  }
0x49: {  	[bflag:$0x3] =	sbarrier.arrive $0xFFFF  }
0x4a: {  	_ =	shalt  }

</sc_bundles>
